<compile_context>
chip_gen: v7x
topology: tpu7x:2x2x1
jax: 0.10.2.dev20260603
libtpu: 0.0.44.dev20260713+nightly
codegen_flags: <defaults>
</compile_context>

<pallas_src>
import dataclasses
import functools

import jax
import jax.numpy as jnp
from jax import lax
from jax.experimental import pallas as pl
from jax.experimental.pallas import tpu as pltpu
from jax.experimental.pallas import tpu_sc as plsc

BATCH = 16384
EMB_DIM = 512
L = 16
NC, NS = 2, 16
NW = NC * NS
BPW = BATCH // NW
CHUNK = 16
NCHUNK = BPW // CHUNK
DCHUNK = EMB_DIM // L
NUSER = 100000
ABLK = (3 * NUSER + 127) // 128 + 1

_GDN = jax.lax.GatherDimensionNumbers(
    offset_dims=(), collapsed_slice_dims=(0,), start_index_map=(0,))


def _lane_bcast(v, idx16):
    return lax.gather(v, idx16[:, None], dimension_numbers=_GDN,
                      slice_sizes=(1,),
                      mode=lax.GatherScatterMode.PROMISE_IN_BOUNDS)


def _sc_kernel(u_hbm, i_hbm, j_hbm, ue_hbm, al_hbm, ii_hbm, it_hbm, ik_hbm,
               out_hbm,
               idx_u, idx_i, idx_j,
               bufs0, bufs1,
               out_v, sem0, sem1):
    wid = lax.axis_index("s") * NC + lax.axis_index("c")
    base = wid * BPW
    pltpu.sync_copy(u_hbm.at[pl.ds(base, BPW)], idx_u)
    pltpu.sync_copy(i_hbm.at[pl.ds(base, BPW)], idx_i)
    pltpu.sync_copy(j_hbm.at[pl.ds(base, BPW)], idx_j)

    lane = lax.iota(jnp.int32, L)

    def descs(c, bufs, sem):
        off = c * CHUNK
        iu = idx_u.at[pl.ds(off, CHUNK)]
        ii_ = idx_i.at[pl.ds(off, CHUNK)]
        ij = idx_j.at[pl.ds(off, CHUNK)]
        uvec = idx_u[pl.ds(off, CHUNK)]
        u_rows, a0_r, a1_r, a2_r, ii_r, it_r, ik_r, ji_r, jt_r, jk_r = bufs
        cps = [
            pltpu.make_async_copy(ue_hbm.at[iu], u_rows, sem),
            pltpu.make_async_copy(ii_hbm.at[ii_], ii_r, sem),
            pltpu.make_async_copy(it_hbm.at[ii_], it_r, sem),
            pltpu.make_async_copy(ik_hbm.at[ii_], ik_r, sem),
            pltpu.make_async_copy(ii_hbm.at[ij], ji_r, sem),
            pltpu.make_async_copy(it_hbm.at[ij], jt_r, sem),
            pltpu.make_async_copy(ik_hbm.at[ij], jk_r, sem),
        ]
        for k, a_r in enumerate((a0_r, a1_r, a2_r)):
            blk = lax.shift_right_logical(uvec + k * NUSER, 7)
            cps.append(pltpu.make_async_copy(al_hbm.at[blk], a_r, sem))
        return cps

    def issue(c, bufs, sem):
        for d in descs(c, bufs, sem):
            d.start()

    def drain(c, bufs, sem):
        for d in descs(c, bufs, sem):
            d.wait()

    def compute(c, bufs):
        off = c * CHUNK
        u_rows, a0_r, a1_r, a2_r, ii_r, it_r, ik_r, ji_r, jt_r, jk_r = bufs
        uvec = idx_u[pl.ds(off, CHUNK)]
        a0v = plsc.load_gather(a0_r, [lane, uvec & 127])
        a1v = plsc.load_gather(a1_r, [lane, (uvec + NUSER) & 127])
        a2v = plsc.load_gather(a2_r, [lane, (uvec + 2 * NUSER) & 127])
        mx = jnp.maximum(jnp.maximum(a0v, a1v), a2v)
        e0 = jnp.exp(a0v - mx)
        e1 = jnp.exp(a1v - mx)
        e2 = jnp.exp(a2v - mx)
        rs = 1.0 / (e0 + e1 + e2)
        w0v = e0 * rs
        w1v = e1 * rs
        w2v = e2 * rs

        def elem_body(b, res_vec):
            bvec = jnp.full((L,), b, jnp.int32)
            w0 = _lane_bcast(w0v, bvec)
            w1 = _lane_bcast(w1v, bvec)
            w2 = _lane_bcast(w2v, bvec)

            def dim_body(d, acc):
                sl = pl.ds(d * L, L)
                uv = u_rows[b, sl]
                return acc + uv * (w0 * (ii_r[b, sl] - ji_r[b, sl])
                                   + w1 * (it_r[b, sl] - jt_r[b, sl])
                                   + w2 * (ik_r[b, sl] - jk_r[b, sl]))

            acc = lax.fori_loop(0, DCHUNK, dim_body,
                                jnp.zeros((L,), jnp.float32), unroll=4)
            res = jnp.sum(acc)
            return jnp.where(lane == b, res, res_vec)

        res_vec = lax.fori_loop(0, CHUNK, elem_body,
                                jnp.zeros((L,), jnp.float32))
        out_v[pl.ds(off, CHUNK)] = res_vec

    issue(0, bufs0, sem0)

    @pl.loop(0, NCHUNK, step=2)
    def _pair(c):
        issue(c + 1, bufs1, sem1)
        drain(c, bufs0, sem0)
        compute(c, bufs0)

        @pl.when(c + 2 < NCHUNK)
        def _():
            issue(c + 2, bufs0, sem0)

        drain(c + 1, bufs1, sem1)
        compute(c + 1, bufs1)

    pltpu.sync_copy(out_v, out_hbm.at[pl.ds(base, BPW)])


def kernel(u, i, j, user_emb, alpha_emb, item_embed_img, item_embed_txt,
           item_embed_kg):
    aflat = jnp.pad(alpha_emb.T.reshape(-1), (0, ABLK * 128 - 3 * NUSER))
    albl = aflat.reshape(ABLK, 128)
    mesh = plsc.VectorSubcoreMesh(core_axis_name="c", subcore_axis_name="s")

    cp = pltpu.CompilerParams()
    if "needs_layout_passes" in pltpu.CompilerParams.__dataclass_fields__:
        cp = dataclasses.replace(cp, needs_layout_passes=False)

    rowset = [pltpu.VMEM((CHUNK, EMB_DIM), jnp.float32)] + \
             [pltpu.VMEM((CHUNK, 128), jnp.float32)] * 3 + \
             [pltpu.VMEM((CHUNK, EMB_DIM), jnp.float32)] * 6

    run = functools.partial(
        pl.kernel,
        out_type=jax.ShapeDtypeStruct((BATCH,), jnp.float32),
        mesh=mesh,
        compiler_params=cp,
        scratch_types=[
            pltpu.VMEM((BPW,), jnp.int32),
            pltpu.VMEM((BPW,), jnp.int32),
            pltpu.VMEM((BPW,), jnp.int32),
            rowset,
            rowset,
            pltpu.VMEM((BPW,), jnp.float32),
            pltpu.SemaphoreType.DMA,
            pltpu.SemaphoreType.DMA,
        ],
    )(_sc_kernel)
    return run(u.astype(jnp.int32), i.astype(jnp.int32), j.astype(jnp.int32),
               user_emb, albl, item_embed_img, item_embed_txt,
               item_embed_kg)

# --- scband reference (transcript-rebuilt; emitter-appended) ---
"""Pipeline reference for scband-bpr-mf-mmkg-pf-13743895347754 (READ-ONLY COPY).

The authoritative reference and input builder live on the scoring server;
editing this copy changes nothing except your own understanding.
"""

import jax, jax.numpy as jnp
import numpy as np

NUM_USERS = 100000
NUM_ITEMS = 100000
EMB_DIM = 512
BATCH = 16384


def setup_inputs(seed: int = 0) -> dict:
    key = jax.random.key(seed)
    ks = jax.random.split(key, 8)
    u = jax.random.randint(ks[0], (BATCH,), 0, NUM_USERS, dtype=jnp.int64 if jax.config.jax_enable_x64 else jnp.int32)
    i = jax.random.randint(ks[1], (BATCH,), 0, NUM_ITEMS, dtype=jnp.int64 if jax.config.jax_enable_x64 else jnp.int32)
    j = jax.random.randint(ks[2], (BATCH,), 0, NUM_ITEMS, dtype=jnp.int64 if jax.config.jax_enable_x64 else jnp.int32)
    user_emb = jax.random.normal(ks[3], (NUM_USERS, EMB_DIM), dtype=jnp.float32) * 0.01
    alpha_emb = jax.random.normal(ks[4], (NUM_USERS, 3), dtype=jnp.float32) * 0.01
    item_embed_img = jax.random.normal(ks[5], (NUM_ITEMS, EMB_DIM), dtype=jnp.float32)
    item_embed_txt = jax.random.normal(ks[6], (NUM_ITEMS, EMB_DIM), dtype=jnp.float32)
    item_embed_kg = jax.random.normal(ks[7], (NUM_ITEMS, EMB_DIM), dtype=jnp.float32)
    return {
        "u": u,
        "i": i,
        "j": j,
        "user_emb": user_emb,
        "alpha_emb": alpha_emb,
        "item_embed_img": item_embed_img,
        "item_embed_txt": item_embed_txt,
        "item_embed_kg": item_embed_kg,
    }


def reference(u, i, j, user_emb, alpha_emb, item_embed_img, item_embed_txt, item_embed_kg):
    u_e = jnp.take(user_emb, u, axis=0)
    alpha = jax.nn.softmax(jnp.take(alpha_emb, u, axis=0), axis=1)
    i_img = jnp.take(item_embed_img, i, axis=0)
    i_txt = jnp.take(item_embed_txt, i, axis=0)
    i_kg = jnp.take(item_embed_kg, i, axis=0)
    j_img = jnp.take(item_embed_img, j, axis=0)
    j_txt = jnp.take(item_embed_txt, j, axis=0)
    j_kg = jnp.take(item_embed_kg, j, axis=0)
    i_e = alpha[:, 0:1] * i_img + alpha[:, 1:2] * i_txt + alpha[:, 2:3] * i_kg
    j_e = alpha[:, 0:1] * j_img + alpha[:, 1:2] * j_txt + alpha[:, 2:3] * j_kg
    return jnp.sum(u_e * (i_e - j_e), axis=1)

if __name__ == "__main__":
    import jax
    _d = setup_inputs()
    print(jax.jit(kernel)(*tuple(_d.values())))

</pallas_src>

<mosaic_0001>
#map = affine_map<(d0, d1) -> (0)>
#map1 = affine_map<(d0, d1) -> (0, 0)>
module attributes {stable_mosaic.version = 14 : i64} {
  func.func @_sc_kernel(%arg0: i32, %arg1: i32, %arg2: memref<16384xi32, #tpu.memory_space<hbm>>, %arg3: memref<16384xi32, #tpu.memory_space<hbm>>, %arg4: memref<16384xi32, #tpu.memory_space<hbm>>, %arg5: memref<100000x512xf32, #tpu.memory_space<hbm>>, %arg6: memref<2345x128xf32, #tpu.memory_space<hbm>>, %arg7: memref<100000x512xf32, #tpu.memory_space<hbm>>, %arg8: memref<100000x512xf32, #tpu.memory_space<hbm>>, %arg9: memref<100000x512xf32, #tpu.memory_space<hbm>>, %arg10: memref<16384xf32, #tpu.memory_space<hbm>>, %arg11: memref<512xi32, #tpu.memory_space<vmem>>, %arg12: memref<512xi32, #tpu.memory_space<vmem>>, %arg13: memref<512xi32, #tpu.memory_space<vmem>>, %arg14: memref<16x512xf32, #tpu.memory_space<vmem>>, %arg15: memref<16x128xf32, #tpu.memory_space<vmem>>, %arg16: memref<16x128xf32, #tpu.memory_space<vmem>>, %arg17: memref<16x128xf32, #tpu.memory_space<vmem>>, %arg18: memref<16x512xf32, #tpu.memory_space<vmem>>, %arg19: memref<16x512xf32, #tpu.memory_space<vmem>>, %arg20: memref<16x512xf32, #tpu.memory_space<vmem>>, %arg21: memref<16x512xf32, #tpu.memory_space<vmem>>, %arg22: memref<16x512xf32, #tpu.memory_space<vmem>>, %arg23: memref<16x512xf32, #tpu.memory_space<vmem>>, %arg24: memref<16x512xf32, #tpu.memory_space<vmem>>, %arg25: memref<16x128xf32, #tpu.memory_space<vmem>>, %arg26: memref<16x128xf32, #tpu.memory_space<vmem>>, %arg27: memref<16x128xf32, #tpu.memory_space<vmem>>, %arg28: memref<16x512xf32, #tpu.memory_space<vmem>>, %arg29: memref<16x512xf32, #tpu.memory_space<vmem>>, %arg30: memref<16x512xf32, #tpu.memory_space<vmem>>, %arg31: memref<16x512xf32, #tpu.memory_space<vmem>>, %arg32: memref<16x512xf32, #tpu.memory_space<vmem>>, %arg33: memref<16x512xf32, #tpu.memory_space<vmem>>, %arg34: memref<512xf32, #tpu.memory_space<vmem>>, %arg35: memref<!tpu.dma_semaphore, #tpu.memory_space<semaphore_mem>>, %arg36: memref<!tpu.dma_semaphore, #tpu.memory_space<semaphore_mem>>) attributes {dimension_semantics = [#tpu.dimension_semantics<core_parallel>, #tpu.dimension_semantics<subcore_parallel>], iteration_bounds = array<i64: 2, 16>, scalar_prefetch = 0 : i64, scratch_operands = 26 : i64, tpu.core_type = #tpu.core_type<sc_vector_subcore>, window_params = [{transform_indices = #map}, {transform_indices = #map}, {transform_indices = #map}, {transform_indices = #map1}, {transform_indices = #map1}, {transform_indices = #map1}, {transform_indices = #map1}, {transform_indices = #map1}, {transform_indices = #map}]} {
    %mul3A = arith.constant 2 : i32
    %mul3A_0 = arith.muli %arg1, %mul3A : i32
    %add3A = arith.addi %mul3A_0, %arg0 : i32
    %mul3A_1 = arith.constant 512 : i32
    %mul3A_2 = arith.muli %add3A, %mul3A_1 : i32
    "tpu.region"() ({
      %run_scoped3A = tpu.sem_alloc : memref<!tpu.dma_semaphore, #tpu.memory_space<semaphore_mem>>
      %dma_start3A_68 = tpu.memref_slice %arg2[%mul3A_2] : memref<16384xi32, #tpu.memory_space<hbm>> -> memref<512xi32, #tpu.memory_space<hbm>>
      %dma_start3A_69 = tpu.memref_slice %arg2[%mul3A_2] : memref<16384xi32, #tpu.memory_space<hbm>> -> memref<512xi32, #tpu.memory_space<hbm>>
      tpu.enqueue_dma source(%dma_start3A_69 : memref<512xi32, #tpu.memory_space<hbm>>) target(%arg11 : memref<512xi32, #tpu.memory_space<vmem>>) target_semaphore(%run_scoped3A : memref<!tpu.dma_semaphore, #tpu.memory_space<semaphore_mem>>)
      %dma_wait3A = tpu.memref_slice %arg2[%mul3A_2] : memref<16384xi32, #tpu.memory_space<hbm>> -> memref<512xi32, #tpu.memory_space<hbm>>
      %dma_wait3A_70 = tpu.memref_slice %arg2[%mul3A_2] : memref<16384xi32, #tpu.memory_space<hbm>> -> memref<512xi32, #tpu.memory_space<hbm>>
      tpu.wait_dma2 semaphore(%run_scoped3A : memref<!tpu.dma_semaphore, #tpu.memory_space<semaphore_mem>>) src(%dma_wait3A_70 : memref<512xi32, #tpu.memory_space<hbm>>) dst(%arg11 : memref<512xi32, #tpu.memory_space<vmem>>)
      tpu.yield
    }) : () -> ()
    "tpu.region"() ({
      %run_scoped3A = tpu.sem_alloc : memref<!tpu.dma_semaphore, #tpu.memory_space<semaphore_mem>>
      %dma_start3A_68 = tpu.memref_slice %arg3[%mul3A_2] : memref<16384xi32, #tpu.memory_space<hbm>> -> memref<512xi32, #tpu.memory_space<hbm>>
      %dma_start3A_69 = tpu.memref_slice %arg3[%mul3A_2] : memref<16384xi32, #tpu.memory_space<hbm>> -> memref<512xi32, #tpu.memory_space<hbm>>
      tpu.enqueue_dma source(%dma_start3A_69 : memref<512xi32, #tpu.memory_space<hbm>>) target(%arg12 : memref<512xi32, #tpu.memory_space<vmem>>) target_semaphore(%run_scoped3A : memref<!tpu.dma_semaphore, #tpu.memory_space<semaphore_mem>>)
      %dma_wait3A = tpu.memref_slice %arg3[%mul3A_2] : memref<16384xi32, #tpu.memory_space<hbm>> -> memref<512xi32, #tpu.memory_space<hbm>>
      %dma_wait3A_70 = tpu.memref_slice %arg3[%mul3A_2] : memref<16384xi32, #tpu.memory_space<hbm>> -> memref<512xi32, #tpu.memory_space<hbm>>
      tpu.wait_dma2 semaphore(%run_scoped3A : memref<!tpu.dma_semaphore, #tpu.memory_space<semaphore_mem>>) src(%dma_wait3A_70 : memref<512xi32, #tpu.memory_space<hbm>>) dst(%arg12 : memref<512xi32, #tpu.memory_space<vmem>>)
      tpu.yield
    }) : () -> ()
    "tpu.region"() ({
      %run_scoped3A = tpu.sem_alloc : memref<!tpu.dma_semaphore, #tpu.memory_space<semaphore_mem>>
      %dma_start3A_68 = tpu.memref_slice %arg4[%mul3A_2] : memref<16384xi32, #tpu.memory_space<hbm>> -> memref<512xi32, #tpu.memory_space<hbm>>
      %dma_start3A_69 = tpu.memref_slice %arg4[%mul3A_2] : memref<16384xi32, #tpu.memory_space<hbm>> -> memref<512xi32, #tpu.memory_space<hbm>>
      tpu.enqueue_dma source(%dma_start3A_69 : memref<512xi32, #tpu.memory_space<hbm>>) target(%arg13 : memref<512xi32, #tpu.memory_space<vmem>>) target_semaphore(%run_scoped3A : memref<!tpu.dma_semaphore, #tpu.memory_space<semaphore_mem>>)
      %dma_wait3A = tpu.memref_slice %arg4[%mul3A_2] : memref<16384xi32, #tpu.memory_space<hbm>> -> memref<512xi32, #tpu.memory_space<hbm>>
      %dma_wait3A_70 = tpu.memref_slice %arg4[%mul3A_2] : memref<16384xi32, #tpu.memory_space<hbm>> -> memref<512xi32, #tpu.memory_space<hbm>>
      tpu.wait_dma2 semaphore(%run_scoped3A : memref<!tpu.dma_semaphore, #tpu.memory_space<semaphore_mem>>) src(%dma_wait3A_70 : memref<512xi32, #tpu.memory_space<hbm>>) dst(%arg13 : memref<512xi32, #tpu.memory_space<vmem>>)
      tpu.yield
    }) : () -> ()
    %iota3A = tpu.iota {dimensions = array<i32: 0>} : vector<16xi32>
    %get3A = arith.constant 0 : index
    %get3A_3 = tpu.vector_load %arg11[%get3A] {strides = array<i32>} : memref<512xi32, #tpu.memory_space<vmem>>, vector<16xi32>,
    %add3A_4 = arith.constant 0 : i32
    %add3A_5 = vector.broadcast %add3A_4 : i32 to vector<16xi32>
    %add3A_6 = arith.addi %get3A_3, %add3A_5 : vector<16xi32>
    %shift_right_logical3A = arith.constant 7 : i32
    %shift_right_logical3A_7 = vector.broadcast %shift_right_logical3A : i32 to vector<16xi32>
    %shift_right_logical3A_8 = arith.shrui %add3A_6, %shift_right_logical3A_7 : vector<16xi32>
    %add3A_9 = arith.constant 100000 : i32
    %add3A_10 = vector.broadcast %add3A_9 : i32 to vector<16xi32>
    %add3A_11 = arith.addi %get3A_3, %add3A_10 : vector<16xi32>
    %shift_right_logical3A_12 = arith.constant 7 : i32
    %shift_right_logical3A_13 = vector.broadcast %shift_right_logical3A_12 : i32 to vector<16xi32>
    %shift_right_logical3A_14 = arith.shrui %add3A_11, %shift_right_logical3A_13 : vector<16xi32>
    %add3A_15 = arith.constant 200000 : i32
    %add3A_16 = vector.broadcast %add3A_15 : i32 to vector<16xi32>
    %add3A_17 = arith.addi %get3A_3, %add3A_16 : vector<16xi32>
    %shift_right_logical3A_18 = arith.constant 7 : i32
    %shift_right_logical3A_19 = vector.broadcast %shift_right_logical3A_18 : i32 to vector<16xi32>
    %shift_right_logical3A_20 = arith.shrui %add3A_17, %shift_right_logical3A_19 : vector<16xi32>
    %dma_start3A = arith.constant 0 : i32
    %dma_start3A_21 = tpu.memref_slice %arg11[%dma_start3A] : memref<512xi32, #tpu.memory_space<vmem>> -> memref<16xi32, #tpu.memory_space<vmem>>
    %dma_start3A_22 = arith.constant 0 : i32
    %dma_start3A_23 = arith.constant 0 : i32
    %dma_start3A_24 = tpu.memref_slice %arg5[%dma_start3A_22, %dma_start3A_23] : memref<100000x512xf32, #tpu.memory_space<hbm>> -> memref<100000x512xf32, #tpu.memory_space<hbm>>
    tpu.enqueue_indirect_dma source(%dma_start3A_24 : memref<100000x512xf32, #tpu.memory_space<hbm>>) target(%arg14 : memref<16x512xf32, #tpu.memory_space<vmem>>) offsets(%dma_start3A_21 : memref<16xi32, #tpu.memory_space<vmem>>) semaphore(%arg35 : memref<!tpu.dma_semaphore, #tpu.memory_space<semaphore_mem>>)
    %dma_start3A_25 = arith.constant 0 : i32
    %dma_start3A_26 = tpu.memref_slice %arg12[%dma_start3A_25] : memref<512xi32, #tpu.memory_space<vmem>> -> memref<16xi32, #tpu.memory_space<vmem>>
    %dma_start3A_27 = arith.constant 0 : i32
    %dma_start3A_28 = arith.constant 0 : i32
    %dma_start3A_29 = tpu.memref_slice %arg7[%dma_start3A_27, %dma_start3A_28] : memref<100000x512xf32, #tpu.memory_space<hbm>> -> memref<100000x512xf32, #tpu.memory_space<hbm>>
    tpu.enqueue_indirect_dma source(%dma_start3A_29 : memref<100000x512xf32, #tpu.memory_space<hbm>>) target(%arg18 : memref<16x512xf32, #tpu.memory_space<vmem>>) offsets(%dma_start3A_26 : memref<16xi32, #tpu.memory_space<vmem>>) semaphore(%arg35 : memref<!tpu.dma_semaphore, #tpu.memory_space<semaphore_mem>>)
    %dma_start3A_30 = arith.constant 0 : i32
    %dma_start3A_31 = tpu.memref_slice %arg12[%dma_start3A_30] : memref<512xi32, #tpu.memory_space<vmem>> -> memref<16xi32, #tpu.memory_space<vmem>>
    %dma_start3A_32 = arith.constant 0 : i32
    %dma_start3A_33 = arith.constant 0 : i32
    %dma_start3A_34 = tpu.memref_slice %arg8[%dma_start3A_32, %dma_start3A_33] : memref<100000x512xf32, #tpu.memory_space<hbm>> -> memref<100000x512xf32, #tpu.memory_space<hbm>>
    tpu.enqueue_indirect_dma source(%dma_start3A_34 : memref<100000x512xf32, #tpu.memory_space<hbm>>) target(%arg19 : memref<16x512xf32, #tpu.memory_space<vmem>>) offsets(%dma_start3A_31 : memref<16xi32, #tpu.memory_space<vmem>>) semaphore(%arg35 : memref<!tpu.dma_semaphore, #tpu.memory_space<semaphore_mem>>)
    %dma_start3A_35 = arith.constant 0 : i32
    %dma_start3A_36 = tpu.memref_slice %arg12[%dma_start3A_35] : memref<512xi32, #tpu.memory_space<vmem>> -> memref<16xi32, #tpu.memory_space<vmem>>
    %dma_start3A_37 = arith.constant 0 : i32
    %dma_start3A_38 = arith.constant 0 : i32
    %dma_start3A_39 = tpu.memref_slice %arg9[%dma_start3A_37, %dma_start3A_38] : memref<100000x512xf32, #tpu.memory_space<hbm>> -> memref<100000x512xf32, #tpu.memory_space<hbm>>
    tpu.enqueue_indirect_dma source(%dma_start3A_39 : memref<100000x512xf32, #tpu.memory_space<hbm>>) target(%arg20 : memref<16x512xf32, #tpu.memory_space<vmem>>) offsets(%dma_start3A_36 : memref<16xi32, #tpu.memory_space<vmem>>) semaphore(%arg35 : memref<!tpu.dma_semaphore, #tpu.memory_space<semaphore_mem>>)
    %dma_start3A_40 = arith.constant 0 : i32
    %dma_start3A_41 = tpu.memref_slice %arg13[%dma_start3A_40] : memref<512xi32, #tpu.memory_space<vmem>> -> memref<16xi32, #tpu.memory_space<vmem>>
    %dma_start3A_42 = arith.constant 0 : i32
    %dma_start3A_43 = arith.constant 0 : i32
    %dma_start3A_44 = tpu.memref_slice %arg7[%dma_start3A_42, %dma_start3A_43] : memref<100000x512xf32, #tpu.memory_space<hbm>> -> memref<100000x512xf32, #tpu.memory_space<hbm>>
    tpu.enqueue_indirect_dma source(%dma_start3A_44 : memref<100000x512xf32, #tpu.memory_space<hbm>>) target(%arg21 : memref<16x512xf32, #tpu.memory_space<vmem>>) offsets(%dma_start3A_41 : memref<16xi32, #tpu.memory_space<vmem>>) semaphore(%arg35 : memref<!tpu.dma_semaphore, #tpu.memory_space<semaphore_mem>>)
    %dma_start3A_45 = arith.constant 0 : i32
    %dma_start3A_46 = tpu.memref_slice %arg13[%dma_start3A_45] : memref<512xi32, #tpu.memory_space<vmem>> -> memref<16xi32, #tpu.memory_space<vmem>>
    %dma_start3A_47 = arith.constant 0 : i32
    %dma_start3A_48 = arith.constant 0 : i32
    %dma_start3A_49 = tpu.memref_slice %arg8[%dma_start3A_47, %dma_start3A_48] : memref<100000x512xf32, #tpu.memory_space<hbm>> -> memref<100000x512xf32, #tpu.memory_space<hbm>>
    tpu.enqueue_indirect_dma source(%dma_start3A_49 : memref<100000x512xf32, #tpu.memory_space<hbm>>) target(%arg22 : memref<16x512xf32, #tpu.memory_space<vmem>>) offsets(%dma_start3A_46 : memref<16xi32, #tpu.memory_space<vmem>>) semaphore(%arg35 : memref<!tpu.dma_semaphore, #tpu.memory_space<semaphore_mem>>)
    %dma_start3A_50 = arith.constant 0 : i32
    %dma_start3A_51 = tpu.memref_slice %arg13[%dma_start3A_50] : memref<512xi32, #tpu.memory_space<vmem>> -> memref<16xi32, #tpu.memory_space<vmem>>
    %dma_start3A_52 = arith.constant 0 : i32
    %dma_start3A_53 = arith.constant 0 : i32
    %dma_start3A_54 = tpu.memref_slice %arg9[%dma_start3A_52, %dma_start3A_53] : memref<100000x512xf32, #tpu.memory_space<hbm>> -> memref<100000x512xf32, #tpu.memory_space<hbm>>
    tpu.enqueue_indirect_dma source(%dma_start3A_54 : memref<100000x512xf32, #tpu.memory_space<hbm>>) target(%arg23 : memref<16x512xf32, #tpu.memory_space<vmem>>) offsets(%dma_start3A_51 : memref<16xi32, #tpu.memory_space<vmem>>) semaphore(%arg35 : memref<!tpu.dma_semaphore, #tpu.memory_space<semaphore_mem>>)
    %dma_start3A_55 = arith.constant 0 : i32
    %dma_start3A_56 = arith.constant 0 : i32
    %dma_start3A_57 = tpu.memref_slice %arg6[%dma_start3A_55, %dma_start3A_56] : memref<2345x128xf32, #tpu.memory_space<hbm>> -> memref<2345x128xf32, #tpu.memory_space<hbm>>
    tpu.enqueue_indirect_dma source(%dma_start3A_57 : memref<2345x128xf32, #tpu.memory_space<hbm>>) target(%arg15 : memref<16x128xf32, #tpu.memory_space<vmem>>) offsets(%shift_right_logical3A_8 : vector<16xi32>) semaphore(%arg35 : memref<!tpu.dma_semaphore, #tpu.memory_space<semaphore_mem>>)
    %dma_start3A_58 = arith.constant 0 : i32
    %dma_start3A_59 = arith.constant 0 : i32
    %dma_start3A_60 = tpu.memref_slice %arg6[%dma_start3A_58, %dma_start3A_59] : memref<2345x128xf32, #tpu.memory_space<hbm>> -> memref<2345x128xf32, #tpu.memory_space<hbm>>
    tpu.enqueue_indirect_dma source(%dma_start3A_60 : memref<2345x128xf32, #tpu.memory_space<hbm>>) target(%arg16 : memref<16x128xf32, #tpu.memory_space<vmem>>) offsets(%shift_right_logical3A_14 : vector<16xi32>) semaphore(%arg35 : memref<!tpu.dma_semaphore, #tpu.memory_space<semaphore_mem>>)
    %dma_start3A_61 = arith.constant 0 : i32
    %dma_start3A_62 = arith.constant 0 : i32
    %dma_start3A_63 = tpu.memref_slice %arg6[%dma_start3A_61, %dma_start3A_62] : memref<2345x128xf32, #tpu.memory_space<hbm>> -> memref<2345x128xf32, #tpu.memory_space<hbm>>
    tpu.enqueue_indirect_dma source(%dma_start3A_63 : memref<2345x128xf32, #tpu.memory_space<hbm>>) target(%arg17 : memref<16x128xf32, #tpu.memory_space<vmem>>) offsets(%shift_right_logical3A_20 : vector<16xi32>) semaphore(%arg35 : memref<!tpu.dma_semaphore, #tpu.memory_space<semaphore_mem>>)
    %scan3A = arith.constant 0 : i32
    %scan3A_64 = arith.constant 16 : i32
    %scan3A_65 = arith.addi %scan3A, %scan3A_64 : i32
    %scan3A_66 = arith.constant 1 : i32
    scf.for %scan3A_68 = %scan3A to %scan3A_65 step %scan3A_66  : i32 {
      %mul3A_69 = arith.constant 2 : i32
      %mul3A_70 = arith.muli %scan3A_68, %mul3A_69 : i32
      %add3A_71 = arith.constant 0 : i32
      %add3A_72 = arith.addi %add3A_71, %mul3A_70 : i32
      %add3A_73 = arith.constant 1 : i32
      %add3A_74 = arith.addi %add3A_72, %add3A_73 : i32
      %mul3A_75 = arith.constant 16 : i32
      %mul3A_76 = arith.muli %add3A_74, %mul3A_75 : i32
      %get3A_77 = arith.index_cast %mul3A_76 : i32 to index
      %get3A_78 = tpu.vector_load %arg11[%get3A_77] {strides = array<i32>} : memref<512xi32, #tpu.memory_space<vmem>>, vector<16xi32>,
      %add3A_79 = arith.constant 0 : i32
      %add3A_80 = vector.broadcast %add3A_79 : i32 to vector<16xi32>
      %add3A_81 = arith.addi %get3A_78, %add3A_80 : vector<16xi32>
      %shift_right_logical3A_82 = arith.constant 7 : i32
      %shift_right_logical3A_83 = vector.broadcast %shift_right_logical3A_82 : i32 to vector<16xi32>
      %shift_right_logical3A_84 = arith.shrui %add3A_81, %shift_right_logical3A_83 : vector<16xi32>
      %add3A_85 = arith.constant 100000 : i32
      %add3A_86 = vector.broadcast %add3A_85 : i32 to vector<16xi32>
      %add3A_87 = arith.addi %get3A_78, %add3A_86 : vector<16xi32>
      %shift_right_logical3A_88 = arith.constant 7 : i32
      %shift_right_logical3A_89 = vector.broadcast %shift_right_logical3A_88 : i32 to vector<16xi32>
      %shift_right_logical3A_90 = arith.shrui %add3A_87, %shift_right_logical3A_89 : vector<16xi32>
      %add3A_91 = arith.constant 200000 : i32
      %add3A_92 = vector.broadcast %add3A_91 : i32 to vector<16xi32>
      %add3A_93 = arith.addi %get3A_78, %add3A_92 : vector<16xi32>
      %shift_right_logical3A_94 = arith.constant 7 : i32
      %shift_right_logical3A_95 = vector.broadcast %shift_right_logical3A_94 : i32 to vector<16xi32>
      %shift_right_logical3A_96 = arith.shrui %add3A_93, %shift_right_logical3A_95 : vector<16xi32>
      %dma_start3A_97 = tpu.memref_slice %arg11[%mul3A_76] : memref<512xi32, #tpu.memory_space<vmem>> -> memref<16xi32, #tpu.memory_space<vmem>>
      %dma_start3A_98 = arith.constant 0 : i32
      %dma_start3A_99 = arith.constant 0 : i32
      %dma_start3A_100 = tpu.memref_slice %arg5[%dma_start3A_98, %dma_start3A_99] : memref<100000x512xf32, #tpu.memory_space<hbm>> -> memref<100000x512xf32, #tpu.memory_space<hbm>>
      tpu.enqueue_indirect_dma source(%dma_start3A_100 : memref<100000x512xf32, #tpu.memory_space<hbm>>) target(%arg24 : memref<16x512xf32, #tpu.memory_space<vmem>>) offsets(%dma_start3A_97 : memref<16xi32, #tpu.memory_space<vmem>>) semaphore(%arg36 : memref<!tpu.dma_semaphore, #tpu.memory_space<semaphore_mem>>)
      %dma_start3A_101 = tpu.memref_slice %arg12[%mul3A_76] : memref<512xi32, #tpu.memory_space<vmem>> -> memref<16xi32, #tpu.memory_space<vmem>>
      %dma_start3A_102 = arith.constant 0 : i32
      %dma_start3A_103 = arith.constant 0 : i32
      %dma_start3A_104 = tpu.memref_slice %arg7[%dma_start3A_102, %dma_start3A_103] : memref<100000x512xf32, #tpu.memory_space<hbm>> -> memref<100000x512xf32, #tpu.memory_space<hbm>>
      tpu.enqueue_indirect_dma source(%dma_start3A_104 : memref<100000x512xf32, #tpu.memory_space<hbm>>) target(%arg28 : memref<16x512xf32, #tpu.memory_space<vmem>>) offsets(%dma_start3A_101 : memref<16xi32, #tpu.memory_space<vmem>>) semaphore(%arg36 : memref<!tpu.dma_semaphore, #tpu.memory_space<semaphore_mem>>)
      %dma_start3A_105 = tpu.memref_slice %arg12[%mul3A_76] : memref<512xi32, #tpu.memory_space<vmem>> -> memref<16xi32, #tpu.memory_space<vmem>>
      %dma_start3A_106 = arith.constant 0 : i32
      %dma_start3A_107 = arith.constant 0 : i32
      %dma_start3A_108 = tpu.memref_slice %arg8[%dma_start3A_106, %dma_start3A_107] : memref<100000x512xf32, #tpu.memory_space<hbm>> -> memref<100000x512xf32, #tpu.memory_space<hbm>>
      tpu.enqueue_indirect_dma source(%dma_start3A_108 : memref<100000x512xf32, #tpu.memory_space<hbm>>) target(%arg29 : memref<16x512xf32, #tpu.memory_space<vmem>>) offsets(%dma_start3A_105 : memref<16xi32, #tpu.memory_space<vmem>>) semaphore(%arg36 : memref<!tpu.dma_semaphore, #tpu.memory_space<semaphore_mem>>)
      %dma_start3A_109 = tpu.memref_slice %arg12[%mul3A_76] : memref<512xi32, #tpu.memory_space<vmem>> -> memref<16xi32, #tpu.memory_space<vmem>>
      %dma_start3A_110 = arith.constant 0 : i32
      %dma_start3A_111 = arith.constant 0 : i32
      %dma_start3A_112 = tpu.memref_slice %arg9[%dma_start3A_110, %dma_start3A_111] : memref<100000x512xf32, #tpu.memory_space<hbm>> -> memref<100000x512xf32, #tpu.memory_space<hbm>>
      tpu.enqueue_indirect_dma source(%dma_start3A_112 : memref<100000x512xf32, #tpu.memory_space<hbm>>) target(%arg30 : memref<16x512xf32, #tpu.memory_space<vmem>>) offsets(%dma_start3A_109 : memref<16xi32, #tpu.memory_space<vmem>>) semaphore(%arg36 : memref<!tpu.dma_semaphore, #tpu.memory_space<semaphore_mem>>)
      %dma_start3A_113 = tpu.memref_slice %arg13[%mul3A_76] : memref<512xi32, #tpu.memory_space<vmem>> -> memref<16xi32, #tpu.memory_space<vmem>>
      %dma_start3A_114 = arith.constant 0 : i32
      %dma_start3A_115 = arith.constant 0 : i32
      %dma_start3A_116 = tpu.memref_slice %arg7[%dma_start3A_114, %dma_start3A_115] : memref<100000x512xf32, #tpu.memory_space<hbm>> -> memref<100000x512xf32, #tpu.memory_space<hbm>>
      tpu.enqueue_indirect_dma source(%dma_start3A_116 : memref<100000x512xf32, #tpu.memory_space<hbm>>) target(%arg31 : memref<16x512xf32, #tpu.memory_space<vmem>>) offsets(%dma_start3A_113 : memref<16xi32, #tpu.memory_space<vmem>>) semaphore(%arg36 : memref<!tpu.dma_semaphore, #tpu.memory_space<semaphore_mem>>)
      %dma_start3A_117 = tpu.memref_slice %arg13[%mul3A_76] : memref<512xi32, #tpu.memory_space<vmem>> -> memref<16xi32, #tpu.memory_space<vmem>>
      %dma_start3A_118 = arith.constant 0 : i32
      %dma_start3A_119 = arith.constant 0 : i32
      %dma_start3A_120 = tpu.memref_slice %arg8[%dma_start3A_118, %dma_start3A_119] : memref<100000x512xf32, #tpu.memory_space<hbm>> -> memref<100000x512xf32, #tpu.memory_space<hbm>>
      tpu.enqueue_indirect_dma source(%dma_start3A_120 : memref<100000x512xf32, #tpu.memory_space<hbm>>) target(%arg32 : memref<16x512xf32, #tpu.memory_space<vmem>>) offsets(%dma_start3A_117 : memref<16xi32, #tpu.memory_space<vmem>>) semaphore(%arg36 : memref<!tpu.dma_semaphore, #tpu.memory_space<semaphore_mem>>)
      %dma_start3A_121 = tpu.memref_slice %arg13[%mul3A_76] : memref<512xi32, #tpu.memory_space<vmem>> -> memref<16xi32, #tpu.memory_space<vmem>>
      %dma_start3A_122 = arith.constant 0 : i32
      %dma_start3A_123 = arith.constant 0 : i32
      %dma_start3A_124 = tpu.memref_slice %arg9[%dma_start3A_122, %dma_start3A_123] : memref<100000x512xf32, #tpu.memory_space<hbm>> -> memref<100000x512xf32, #tpu.memory_space<hbm>>
      tpu.enqueue_indirect_dma source(%dma_start3A_124 : memref<100000x512xf32, #tpu.memory_space<hbm>>) target(%arg33 : memref<16x512xf32, #tpu.memory_space<vmem>>) offsets(%dma_start3A_121 : memref<16xi32, #tpu.memory_space<vmem>>) semaphore(%arg36 : memref<!tpu.dma_semaphore, #tpu.memory_space<semaphore_mem>>)
      %dma_start3A_125 = arith.constant 0 : i32
      %dma_start3A_126 = arith.constant 0 : i32
      %dma_start3A_127 = tpu.memref_slice %arg6[%dma_start3A_125, %dma_start3A_126] : memref<2345x128xf32, #tpu.memory_space<hbm>> -> memref<2345x128xf32, #tpu.memory_space<hbm>>
      tpu.enqueue_indirect_dma source(%dma_start3A_127 : memref<2345x128xf32, #tpu.memory_space<hbm>>) target(%arg25 : memref<16x128xf32, #tpu.memory_space<vmem>>) offsets(%shift_right_logical3A_84 : vector<16xi32>) semaphore(%arg36 : memref<!tpu.dma_semaphore, #tpu.memory_space<semaphore_mem>>)
      %dma_start3A_128 = arith.constant 0 : i32
      %dma_start3A_129 = arith.constant 0 : i32
      %dma_start3A_130 = tpu.memref_slice %arg6[%dma_start3A_128, %dma_start3A_129] : memref<2345x128xf32, #tpu.memory_space<hbm>> -> memref<2345x128xf32, #tpu.memory_space<hbm>>
      tpu.enqueue_indirect_dma source(%dma_start3A_130 : memref<2345x128xf32, #tpu.memory_space<hbm>>) target(%arg26 : memref<16x128xf32, #tpu.memory_space<vmem>>) offsets(%shift_right_logical3A_90 : vector<16xi32>) semaphore(%arg36 : memref<!tpu.dma_semaphore, #tpu.memory_space<semaphore_mem>>)
      %dma_start3A_131 = arith.constant 0 : i32
      %dma_start3A_132 = arith.constant 0 : i32
      %dma_start3A_133 = tpu.memref_slice %arg6[%dma_start3A_131, %dma_start3A_132] : memref<2345x128xf32, #tpu.memory_space<hbm>> -> memref<2345x128xf32, #tpu.memory_space<hbm>>
      tpu.enqueue_indirect_dma source(%dma_start3A_133 : memref<2345x128xf32, #tpu.memory_space<hbm>>) target(%arg27 : memref<16x128xf32, #tpu.memory_space<vmem>>) offsets(%shift_right_logical3A_96 : vector<16xi32>) semaphore(%arg36 : memref<!tpu.dma_semaphore, #tpu.memory_space<semaphore_mem>>)
      %mul3A_134 = arith.constant 16 : i32
      %mul3A_135 = arith.muli %add3A_72, %mul3A_134 : i32
      %get3A_136 = arith.index_cast %mul3A_135 : i32 to index
      %get3A_137 = tpu.vector_load %arg11[%get3A_136] {strides = array<i32>} : memref<512xi32, #tpu.memory_space<vmem>>, vector<16xi32>,
      %add3A_138 = arith.constant 0 : i32
      %add3A_139 = vector.broadcast %add3A_138 : i32 to vector<16xi32>
      %add3A_140 = arith.addi %get3A_137, %add3A_139 : vector<16xi32>
      %shift_right_logical3A_141 = arith.constant 7 : i32
      %shift_right_logical3A_142 = vector.broadcast %shift_right_logical3A_141 : i32 to vector<16xi32>
      %shift_right_logical3A_143 = arith.shrui %add3A_140, %shift_right_logical3A_142 : vector<16xi32>
      %add3A_144 = arith.constant 100000 : i32
      %add3A_145 = vector.broadcast %add3A_144 : i32 to vector<16xi32>
      %add3A_146 = arith.addi %get3A_137, %add3A_145 : vector<16xi32>
      %shift_right_logical3A_147 = arith.constant 7 : i32
      %shift_right_logical3A_148 = vector.broadcast %shift_right_logical3A_147 : i32 to vector<16xi32>
      %shift_right_logical3A_149 = arith.shrui %add3A_146, %shift_right_logical3A_148 : vector<16xi32>
      %add3A_150 = arith.constant 200000 : i32
      %add3A_151 = vector.broadcast %add3A_150 : i32 to vector<16xi32>
      %add3A_152 = arith.addi %get3A_137, %add3A_151 : vector<16xi32>
      %shift_right_logical3A_153 = arith.constant 7 : i32
      %shift_right_logical3A_154 = vector.broadcast %shift_right_logical3A_153 : i32 to vector<16xi32>
      %shift_right_logical3A_155 = arith.shrui %add3A_152, %shift_right_logical3A_154 : vector<16xi32>
      %dma_wait3A = tpu.memref_slice %arg11[%mul3A_135] : memref<512xi32, #tpu.memory_space<vmem>> -> memref<16xi32, #tpu.memory_space<vmem>>
      %dma_wait3A_156 = arith.constant 0 : i32
      %dma_wait3A_157 = arith.constant 0 : i32
      %dma_wait3A_158 = tpu.memref_slice %arg5[%dma_wait3A_156, %dma_wait3A_157] : memref<100000x512xf32, #tpu.memory_space<hbm>> -> memref<100000x512xf32, #tpu.memory_space<hbm>>
      tpu.wait_indirect_dma semaphore(%arg35 : memref<!tpu.dma_semaphore, #tpu.memory_space<semaphore_mem>>) src(%dma_wait3A_158 : memref<100000x512xf32, #tpu.memory_space<hbm>>) dst(%arg14 : memref<16x512xf32, #tpu.memory_space<vmem>>)
      %dma_wait3A_159 = tpu.memref_slice %arg12[%mul3A_135] : memref<512xi32, #tpu.memory_space<vmem>> -> memref<16xi32, #tpu.memory_space<vmem>>
      %dma_wait3A_160 = arith.constant 0 : i32
      %dma_wait3A_161 = arith.constant 0 : i32
      %dma_wait3A_162 = tpu.memref_slice %arg7[%dma_wait3A_160, %dma_wait3A_161] : memref<100000x512xf32, #tpu.memory_space<hbm>> -> memref<100000x512xf32, #tpu.memory_space<hbm>>
      tpu.wait_indirect_dma semaphore(%arg35 : memref<!tpu.dma_semaphore, #tpu.memory_space<semaphore_mem>>) src(%dma_wait3A_162 : memref<100000x512xf32, #tpu.memory_space<hbm>>) dst(%arg18 : memref<16x512xf32, #tpu.memory_space<vmem>>)
      %dma_wait3A_163 = tpu.memref_slice %arg12[%mul3A_135] : memref<512xi32, #tpu.memory_space<vmem>> -> memref<16xi32, #tpu.memory_space<vmem>>
      %dma_wait3A_164 = arith.constant 0 : i32
      %dma_wait3A_165 = arith.constant 0 : i32
      %dma_wait3A_166 = tpu.memref_slice %arg8[%dma_wait3A_164, %dma_wait3A_165] : memref<100000x512xf32, #tpu.memory_space<hbm>> -> memref<100000x512xf32, #tpu.memory_space<hbm>>
      tpu.wait_indirect_dma semaphore(%arg35 : memref<!tpu.dma_semaphore, #tpu.memory_space<semaphore_mem>>) src(%dma_wait3A_166 : memref<100000x512xf32, #tpu.memory_space<hbm>>) dst(%arg19 : memref<16x512xf32, #tpu.memory_space<vmem>>)
      %dma_wait3A_167 = tpu.memref_slice %arg12[%mul3A_135] : memref<512xi32, #tpu.memory_space<vmem>> -> memref<16xi32, #tpu.memory_space<vmem>>
      %dma_wait3A_168 = arith.constant 0 : i32
      %dma_wait3A_169 = arith.constant 0 : i32
      %dma_wait3A_170 = tpu.memref_slice %arg9[%dma_wait3A_168, %dma_wait3A_169] : memref<100000x512xf32, #tpu.memory_space<hbm>> -> memref<100000x512xf32, #tpu.memory_space<hbm>>
      tpu.wait_indirect_dma semaphore(%arg35 : memref<!tpu.dma_semaphore, #tpu.memory_space<semaphore_mem>>) src(%dma_wait3A_170 : memref<100000x512xf32, #tpu.memory_space<hbm>>) dst(%arg20 : memref<16x512xf32, #tpu.memory_space<vmem>>)
      %dma_wait3A_171 = tpu.memref_slice %arg13[%mul3A_135] : memref<512xi32, #tpu.memory_space<vmem>> -> memref<16xi32, #tpu.memory_space<vmem>>
      %dma_wait3A_172 = arith.constant 0 : i32
      %dma_wait3A_173 = arith.constant 0 : i32
      %dma_wait3A_174 = tpu.memref_slice %arg7[%dma_wait3A_172, %dma_wait3A_173] : memref<100000x512xf32, #tpu.memory_space<hbm>> -> memref<100000x512xf32, #tpu.memory_space<hbm>>
      tpu.wait_indirect_dma semaphore(%arg35 : memref<!tpu.dma_semaphore, #tpu.memory_space<semaphore_mem>>) src(%dma_wait3A_174 : memref<100000x512xf32, #tpu.memory_space<hbm>>) dst(%arg21 : memref<16x512xf32, #tpu.memory_space<vmem>>)
      %dma_wait3A_175 = tpu.memref_slice %arg13[%mul3A_135] : memref<512xi32, #tpu.memory_space<vmem>> -> memref<16xi32, #tpu.memory_space<vmem>>
      %dma_wait3A_176 = arith.constant 0 : i32
      %dma_wait3A_177 = arith.constant 0 : i32
      %dma_wait3A_178 = tpu.memref_slice %arg8[%dma_wait3A_176, %dma_wait3A_177] : memref<100000x512xf32, #tpu.memory_space<hbm>> -> memref<100000x512xf32, #tpu.memory_space<hbm>>
      tpu.wait_indirect_dma semaphore(%arg35 : memref<!tpu.dma_semaphore, #tpu.memory_space<semaphore_mem>>) src(%dma_wait3A_178 : memref<100000x512xf32, #tpu.memory_space<hbm>>) dst(%arg22 : memref<16x512xf32, #tpu.memory_space<vmem>>)
      %dma_wait3A_179 = tpu.memref_slice %arg13[%mul3A_135] : memref<512xi32, #tpu.memory_space<vmem>> -> memref<16xi32, #tpu.memory_space<vmem>>
      %dma_wait3A_180 = arith.constant 0 : i32
      %dma_wait3A_181 = arith.constant 0 : i32
      %dma_wait3A_182 = tpu.memref_slice %arg9[%dma_wait3A_180, %dma_wait3A_181] : memref<100000x512xf32, #tpu.memory_space<hbm>> -> memref<100000x512xf32, #tpu.memory_space<hbm>>
      tpu.wait_indirect_dma semaphore(%arg35 : memref<!tpu.dma_semaphore, #tpu.memory_space<semaphore_mem>>) src(%dma_wait3A_182 : memref<100000x512xf32, #tpu.memory_space<hbm>>) dst(%arg23 : memref<16x512xf32, #tpu.memory_space<vmem>>)
      %dma_wait3A_183 = arith.constant 0 : i32
      %dma_wait3A_184 = arith.constant 0 : i32
      %dma_wait3A_185 = tpu.memref_slice %arg6[%dma_wait3A_183, %dma_wait3A_184] : memref<2345x128xf32, #tpu.memory_space<hbm>> -> memref<2345x128xf32, #tpu.memory_space<hbm>>
      tpu.wait_indirect_dma semaphore(%arg35 : memref<!tpu.dma_semaphore, #tpu.memory_space<semaphore_mem>>) src(%dma_wait3A_185 : memref<2345x128xf32, #tpu.memory_space<hbm>>) dst(%arg15 : memref<16x128xf32, #tpu.memory_space<vmem>>)
      %dma_wait3A_186 = arith.constant 0 : i32
      %dma_wait3A_187 = arith.constant 0 : i32
      %dma_wait3A_188 = tpu.memref_slice %arg6[%dma_wait3A_186, %dma_wait3A_187] : memref<2345x128xf32, #tpu.memory_space<hbm>> -> memref<2345x128xf32, #tpu.memory_space<hbm>>
      tpu.wait_indirect_dma semaphore(%arg35 : memref<!tpu.dma_semaphore, #tpu.memory_space<semaphore_mem>>) src(%dma_wait3A_188 : memref<2345x128xf32, #tpu.memory_space<hbm>>) dst(%arg16 : memref<16x128xf32, #tpu.memory_space<vmem>>)
      %dma_wait3A_189 = arith.constant 0 : i32
      %dma_wait3A_190 = arith.constant 0 : i32
      %dma_wait3A_191 = tpu.memref_slice %arg6[%dma_wait3A_189, %dma_wait3A_190] : memref<2345x128xf32, #tpu.memory_space<hbm>> -> memref<2345x128xf32, #tpu.memory_space<hbm>>
      tpu.wait_indirect_dma semaphore(%arg35 : memref<!tpu.dma_semaphore, #tpu.memory_space<semaphore_mem>>) src(%dma_wait3A_191 : memref<2345x128xf32, #tpu.memory_space<hbm>>) dst(%arg17 : memref<16x128xf32, #tpu.memory_space<vmem>>)
      %mul3A_192 = arith.constant 16 : i32
      %mul3A_193 = arith.muli %add3A_72, %mul3A_192 : i32
      %get3A_194 = arith.index_cast %mul3A_193 : i32 to index
      %get3A_195 = tpu.vector_load %arg11[%get3A_194] {strides = array<i32>} : memref<512xi32, #tpu.memory_space<vmem>>, vector<16xi32>,
      %and3A = arith.constant 127 : i32
      %and3A_196 = vector.broadcast %and3A : i32 to vector<16xi32>
      %and3A_197 = arith.andi %get3A_195, %and3A_196 : vector<16xi32>
      %gather3A = tpu.vector_load_idx %arg15[%iota3A, %and3A_197] : memref<16x128xf32, #tpu.memory_space<vmem>>[vector<16xi32>, vector<16xi32>], vector<16xf32>,
      %add3A_198 = arith.constant 100000 : i32
      %add3A_199 = vector.broadcast %add3A_198 : i32 to vector<16xi32>
      %add3A_200 = arith.addi %get3A_195, %add3A_199 : vector<16xi32>
      %and3A_201 = arith.constant 127 : i32
      %and3A_202 = vector.broadcast %and3A_201 : i32 to vector<16xi32>
      %and3A_203 = arith.andi %add3A_200, %and3A_202 : vector<16xi32>
      %gather3A_204 = tpu.vector_load_idx %arg16[%iota3A, %and3A_203] : memref<16x128xf32, #tpu.memory_space<vmem>>[vector<16xi32>, vector<16xi32>], vector<16xf32>,
      %add3A_205 = arith.constant 200000 : i32
      %add3A_206 = vector.broadcast %add3A_205 : i32 to vector<16xi32>
      %add3A_207 = arith.addi %get3A_195, %add3A_206 : vector<16xi32>
      %and3A_208 = arith.constant 127 : i32
      %and3A_209 = vector.broadcast %and3A_208 : i32 to vector<16xi32>
      %and3A_210 = arith.andi %add3A_207, %and3A_209 : vector<16xi32>
      %gather3A_211 = tpu.vector_load_idx %arg17[%iota3A, %and3A_210] : memref<16x128xf32, #tpu.memory_space<vmem>>[vector<16xi32>, vector<16xi32>], vector<16xf32>,
      %max3A = arith.maximumf %gather3A, %gather3A_204 : vector<16xf32>
      %max3A_212 = arith.maximumf %max3A, %gather3A_211 : vector<16xf32>
      %sub3A = arith.subf %gather3A, %max3A_212 : vector<16xf32>
      %exp3A = math.exp %sub3A : vector<16xf32>
      %sub3A_213 = arith.subf %gather3A_204, %max3A_212 : vector<16xf32>
      %exp3A_214 = math.exp %sub3A_213 : vector<16xf32>
      %sub3A_215 = arith.subf %gather3A_211, %max3A_212 : vector<16xf32>
      %exp3A_216 = math.exp %sub3A_215 : vector<16xf32>
      %add3A_217 = arith.addf %exp3A, %exp3A_214 : vector<16xf32>
      %add3A_218 = arith.addf %add3A_217, %exp3A_216 : vector<16xf32>
      %div3A = arith.constant 1.000000e+00 : f32
      %div3A_219 = vector.broadcast %div3A : f32 to vector<16xf32>
      %div3A_220 = arith.divf %div3A_219, %add3A_218 : vector<16xf32>
      %mul3A_221 = arith.mulf %exp3A, %div3A_220 : vector<16xf32>
      %mul3A_222 = arith.mulf %exp3A_214, %div3A_220 : vector<16xf32>
      %mul3A_223 = arith.mulf %exp3A_216, %div3A_220 : vector<16xf32>
      %broadcast_in_dim3A = arith.constant 0.000000e+00 : f32
      %broadcast_in_dim3A_224 = vector.broadcast %broadcast_in_dim3A : f32 to vector<16xf32>
      %scan3A_225 = arith.constant 0 : i32
      %scan3A_226 = arith.constant 16 : i32
      %scan3A_227 = arith.addi %scan3A_225, %scan3A_226 : i32
      %scan3A_228 = arith.constant 1 : i32
      %scan3A_229 = scf.for %scan3A_347 = %scan3A_225 to %scan3A_227 step %scan3A_228 iter_args(%scan3A_348 = %broadcast_in_dim3A_224) -> (vector<16xf32>)  : i32 {
        %broadcast_in_dim3A_349 = vector.broadcast %scan3A_347 : i32 to vector<16xi32>
        %broadcast_in_dim3A_350 = vector.shape_cast %broadcast_in_dim3A_349 : vector<16xi32> to vector<16x1xi32>
        %gather3A_351 = vector.shape_cast %broadcast_in_dim3A_350 : vector<16x1xi32> to vector<16xi32>
        %gather3A_352 = tpu.dynamic_gather %mul3A_221[%gather3A_351] in [0] : vector<16xf32>, vector<16xi32> -> vector<16xf32>
        %broadcast_in_dim3A_353 = vector.shape_cast %broadcast_in_dim3A_349 : vector<16xi32> to vector<16x1xi32>
        %gather3A_354 = vector.shape_cast %broadcast_in_dim3A_353 : vector<16x1xi32> to vector<16xi32>
        %gather3A_355 = tpu.dynamic_gather %mul3A_222[%gather3A_354] in [0] : vector<16xf32>, vector<16xi32> -> vector<16xf32>
        %broadcast_in_dim3A_356 = vector.shape_cast %broadcast_in_dim3A_349 : vector<16xi32> to vector<16x1xi32>
        %gather3A_357 = vector.shape_cast %broadcast_in_dim3A_356 : vector<16x1xi32> to vector<16xi32>
        %gather3A_358 = tpu.dynamic_gather %mul3A_223[%gather3A_357] in [0] : vector<16xf32>, vector<16xi32> -> vector<16xf32>
        %broadcast_in_dim3A_359 = arith.constant 0.000000e+00 : f32
        %broadcast_in_dim3A_360 = vector.broadcast %broadcast_in_dim3A_359 : f32 to vector<16xf32>
        %scan3A_361 = arith.constant 0 : i32
        %scan3A_362 = arith.constant 32 : i32
        %scan3A_363 = arith.addi %scan3A_361, %scan3A_362 : i32
        %scan3A_364 = arith.constant 4 : i32
        %scan3A_365 = scf.for %scan3A_372 = %scan3A_361 to %scan3A_363 step %scan3A_364 iter_args(%scan3A_373 = %broadcast_in_dim3A_360) -> (vector<16xf32>)  : i32 {
          %mul3A_374 = arith.constant 16 : i32
          %mul3A_375 = arith.muli %scan3A_372, %mul3A_374 : i32
          %get3A_376 = arith.index_cast %scan3A_347 : i32 to index
          %get3A_377 = arith.index_cast %mul3A_375 : i32 to index
          %get3A_378 = tpu.vector_load %arg14[%get3A_376, %get3A_377] {strides = array<i32>} : memref<16x512xf32, #tpu.memory_space<vmem>>, vector<16xf32>,
          %get3A_379 = arith.index_cast %scan3A_347 : i32 to index
          %get3A_380 = arith.index_cast %mul3A_375 : i32 to index
          %get3A_381 = tpu.vector_load %arg18[%get3A_379, %get3A_380] {strides = array<i32>} : memref<16x512xf32, #tpu.memory_space<vmem>>, vector<16xf32>,
          %get3A_382 = arith.index_cast %scan3A_347 : i32 to index
          %get3A_383 = arith.index_cast %mul3A_375 : i32 to index
          %get3A_384 = tpu.vector_load %arg21[%get3A_382, %get3A_383] {strides = array<i32>} : memref<16x512xf32, #tpu.memory_space<vmem>>, vector<16xf32>,
          %sub3A_385 = arith.subf %get3A_381, %get3A_384 : vector<16xf32>
          %mul3A_386 = arith.mulf %gather3A_352, %sub3A_385 : vector<16xf32>
          %get3A_387 = arith.index_cast %scan3A_347 : i32 to index
          %get3A_388 = arith.index_cast %mul3A_375 : i32 to index
          %get3A_389 = tpu.vector_load %arg19[%get3A_387, %get3A_388] {strides = array<i32>} : memref<16x512xf32, #tpu.memory_space<vmem>>, vector<16xf32>,
          %get3A_390 = arith.index_cast %scan3A_347 : i32 to index
          %get3A_391 = arith.index_cast %mul3A_375 : i32 to index
          %get3A_392 = tpu.vector_load %arg22[%get3A_390, %get3A_391] {strides = array<i32>} : memref<16x512xf32, #tpu.memory_space<vmem>>, vector<16xf32>,
          %sub3A_393 = arith.subf %get3A_389, %get3A_392 : vector<16xf32>
          %mul3A_394 = arith.mulf %gather3A_355, %sub3A_393 : vector<16xf32>
          %add3A_395 = arith.addf %mul3A_386, %mul3A_394 : vector<16xf32>
          %get3A_396 = arith.index_cast %scan3A_347 : i32 to index
          %get3A_397 = arith.index_cast %mul3A_375 : i32 to index
          %get3A_398 = tpu.vector_load %arg20[%get3A_396, %get3A_397] {strides = array<i32>} : memref<16x512xf32, #tpu.memory_space<vmem>>, vector<16xf32>,
          %get3A_399 = arith.index_cast %scan3A_347 : i32 to index
          %get3A_400 = arith.index_cast %mul3A_375 : i32 to index
          %get3A_401 = tpu.vector_load %arg23[%get3A_399, %get3A_400] {strides = array<i32>} : memref<16x512xf32, #tpu.memory_space<vmem>>, vector<16xf32>,
          %sub3A_402 = arith.subf %get3A_398, %get3A_401 : vector<16xf32>
          %mul3A_403 = arith.mulf %gather3A_358, %sub3A_402 : vector<16xf32>
          %add3A_404 = arith.addf %add3A_395, %mul3A_403 : vector<16xf32>
          %mul3A_405 = arith.mulf %get3A_378, %add3A_404 : vector<16xf32>
          %add3A_406 = arith.addf %scan3A_373, %mul3A_405 : vector<16xf32>
          %scan3A_407 = arith.constant 1 : i32
          %scan3A_408 = arith.addi %scan3A_372, %scan3A_407 : i32
          %mul3A_409 = arith.constant 16 : i32
          %mul3A_410 = arith.muli %scan3A_408, %mul3A_409 : i32
          %get3A_411 = arith.index_cast %scan3A_347 : i32 to index
          %get3A_412 = arith.index_cast %mul3A_410 : i32 to index
          %get3A_413 = tpu.vector_load %arg14[%get3A_411, %get3A_412] {strides = array<i32>} : memref<16x512xf32, #tpu.memory_space<vmem>>, vector<16xf32>,
          %get3A_414 = arith.index_cast %scan3A_347 : i32 to index
          %get3A_415 = arith.index_cast %mul3A_410 : i32 to index
          %get3A_416 = tpu.vector_load %arg18[%get3A_414, %get3A_415] {strides = array<i32>} : memref<16x512xf32, #tpu.memory_space<vmem>>, vector<16xf32>,
          %get3A_417 = arith.index_cast %scan3A_347 : i32 to index
          %get3A_418 = arith.index_cast %mul3A_410 : i32 to index
          %get3A_419 = tpu.vector_load %arg21[%get3A_417, %get3A_418] {strides = array<i32>} : memref<16x512xf32, #tpu.memory_space<vmem>>, vector<16xf32>,
          %sub3A_420 = arith.subf %get3A_416, %get3A_419 : vector<16xf32>
          %mul3A_421 = arith.mulf %gather3A_352, %sub3A_420 : vector<16xf32>
          %get3A_422 = arith.index_cast %scan3A_347 : i32 to index
          %get3A_423 = arith.index_cast %mul3A_410 : i32 to index
          %get3A_424 = tpu.vector_load %arg19[%get3A_422, %get3A_423] {strides = array<i32>} : memref<16x512xf32, #tpu.memory_space<vmem>>, vector<16xf32>,
          %get3A_425 = arith.index_cast %scan3A_347 : i32 to index
          %get3A_426 = arith.index_cast %mul3A_410 : i32 to index
          %get3A_427 = tpu.vector_load %arg22[%get3A_425, %get3A_426] {strides = array<i32>} : memref<16x512xf32, #tpu.memory_space<vmem>>, vector<16xf32>,
          %sub3A_428 = arith.subf %get3A_424, %get3A_427 : vector<16xf32>
          %mul3A_429 = arith.mulf %gather3A_355, %sub3A_428 : vector<16xf32>
          %add3A_430 = arith.addf %mul3A_421, %mul3A_429 : vector<16xf32>
          %get3A_431 = arith.index_cast %scan3A_347 : i32 to index
          %get3A_432 = arith.index_cast %mul3A_410 : i32 to index
          %get3A_433 = tpu.vector_load %arg20[%get3A_431, %get3A_432] {strides = array<i32>} : memref<16x512xf32, #tpu.memory_space<vmem>>, vector<16xf32>,
          %get3A_434 = arith.index_cast %scan3A_347 : i32 to index
          %get3A_435 = arith.index_cast %mul3A_410 : i32 to index
          %get3A_436 = tpu.vector_load %arg23[%get3A_434, %get3A_435] {strides = array<i32>} : memref<16x512xf32, #tpu.memory_space<vmem>>, vector<16xf32>,
          %sub3A_437 = arith.subf %get3A_433, %get3A_436 : vector<16xf32>
          %mul3A_438 = arith.mulf %gather3A_358, %sub3A_437 : vector<16xf32>
          %add3A_439 = arith.addf %add3A_430, %mul3A_438 : vector<16xf32>
          %mul3A_440 = arith.mulf %get3A_413, %add3A_439 : vector<16xf32>
          %add3A_441 = arith.addf %add3A_406, %mul3A_440 : vector<16xf32>
          %scan3A_442 = arith.constant 2 : i32
          %scan3A_443 = arith.addi %scan3A_372, %scan3A_442 : i32
          %mul3A_444 = arith.constant 16 : i32
          %mul3A_445 = arith.muli %scan3A_443, %mul3A_444 : i32
          %get3A_446 = arith.index_cast %scan3A_347 : i32 to index
          %get3A_447 = arith.index_cast %mul3A_445 : i32 to index
          %get3A_448 = tpu.vector_load %arg14[%get3A_446, %get3A_447] {strides = array<i32>} : memref<16x512xf32, #tpu.memory_space<vmem>>, vector<16xf32>,
          %get3A_449 = arith.index_cast %scan3A_347 : i32 to index
          %get3A_450 = arith.index_cast %mul3A_445 : i32 to index
          %get3A_451 = tpu.vector_load %arg18[%get3A_449, %get3A_450] {strides = array<i32>} : memref<16x512xf32, #tpu.memory_space<vmem>>, vector<16xf32>,
          %get3A_452 = arith.index_cast %scan3A_347 : i32 to index
          %get3A_453 = arith.index_cast %mul3A_445 : i32 to index
          %get3A_454 = tpu.vector_load %arg21[%get3A_452, %get3A_453] {strides = array<i32>} : memref<16x512xf32, #tpu.memory_space<vmem>>, vector<16xf32>,
          %sub3A_455 = arith.subf %get3A_451, %get3A_454 : vector<16xf32>
          %mul3A_456 = arith.mulf %gather3A_352, %sub3A_455 : vector<16xf32>
          %get3A_457 = arith.index_cast %scan3A_347 : i32 to index
          %get3A_458 = arith.index_cast %mul3A_445 : i32 to index
          %get3A_459 = tpu.vector_load %arg19[%get3A_457, %get3A_458] {strides = array<i32>} : memref<16x512xf32, #tpu.memory_space<vmem>>, vector<16xf32>,
          %get3A_460 = arith.index_cast %scan3A_347 : i32 to index
          %get3A_461 = arith.index_cast %mul3A_445 : i32 to index
          %get3A_462 = tpu.vector_load %arg22[%get3A_460, %get3A_461] {strides = array<i32>} : memref<16x512xf32, #tpu.memory_space<vmem>>, vector<16xf32>,
          %sub3A_463 = arith.subf %get3A_459, %get3A_462 : vector<16xf32>
          %mul3A_464 = arith.mulf %gather3A_355, %sub3A_463 : vector<16xf32>
          %add3A_465 = arith.addf %mul3A_456, %mul3A_464 : vector<16xf32>
          %get3A_466 = arith.index_cast %scan3A_347 : i32 to index
          %get3A_467 = arith.index_cast %mul3A_445 : i32 to index
          %get3A_468 = tpu.vector_load %arg20[%get3A_466, %get3A_467] {strides = array<i32>} : memref<16x512xf32, #tpu.memory_space<vmem>>, vector<16xf32>,
          %get3A_469 = arith.index_cast %scan3A_347 : i32 to index
          %get3A_470 = arith.index_cast %mul3A_445 : i32 to index
          %get3A_471 = tpu.vector_load %arg23[%get3A_469, %get3A_470] {strides = array<i32>} : memref<16x512xf32, #tpu.memory_space<vmem>>, vector<16xf32>,
          %sub3A_472 = arith.subf %get3A_468, %get3A_471 : vector<16xf32>
          %mul3A_473 = arith.mulf %gather3A_358, %sub3A_472 : vector<16xf32>
          %add3A_474 = arith.addf %add3A_465, %mul3A_473 : vector<16xf32>
          %mul3A_475 = arith.mulf %get3A_448, %add3A_474 : vector<16xf32>
          %add3A_476 = arith.addf %add3A_441, %mul3A_475 : vector<16xf32>
          %scan3A_477 = arith.constant 3 : i32
          %scan3A_478 = arith.addi %scan3A_372, %scan3A_477 : i32
          %mul3A_479 = arith.constant 16 : i32
          %mul3A_480 = arith.muli %scan3A_478, %mul3A_479 : i32
          %get3A_481 = arith.index_cast %scan3A_347 : i32 to index
          %get3A_482 = arith.index_cast %mul3A_480 : i32 to index
          %get3A_483 = tpu.vector_load %arg14[%get3A_481, %get3A_482] {strides = array<i32>} : memref<16x512xf32, #tpu.memory_space<vmem>>, vector<16xf32>,
          %get3A_484 = arith.index_cast %scan3A_347 : i32 to index
          %get3A_485 = arith.index_cast %mul3A_480 : i32 to index
          %get3A_486 = tpu.vector_load %arg18[%get3A_484, %get3A_485] {strides = array<i32>} : memref<16x512xf32, #tpu.memory_space<vmem>>, vector<16xf32>,
          %get3A_487 = arith.index_cast %scan3A_347 : i32 to index
          %get3A_488 = arith.index_cast %mul3A_480 : i32 to index
          %get3A_489 = tpu.vector_load %arg21[%get3A_487, %get3A_488] {strides = array<i32>} : memref<16x512xf32, #tpu.memory_space<vmem>>, vector<16xf32>,
          %sub3A_490 = arith.subf %get3A_486, %get3A_489 : vector<16xf32>
          %mul3A_491 = arith.mulf %gather3A_352, %sub3A_490 : vector<16xf32>
          %get3A_492 = arith.index_cast %scan3A_347 : i32 to index
          %get3A_493 = arith.index_cast %mul3A_480 : i32 to index
          %get3A_494 = tpu.vector_load %arg19[%get3A_492, %get3A_493] {strides = array<i32>} : memref<16x512xf32, #tpu.memory_space<vmem>>, vector<16xf32>,
          %get3A_495 = arith.index_cast %scan3A_347 : i32 to index
          %get3A_496 = arith.index_cast %mul3A_480 : i32 to index
          %get3A_497 = tpu.vector_load %arg22[%get3A_495, %get3A_496] {strides = array<i32>} : memref<16x512xf32, #tpu.memory_space<vmem>>, vector<16xf32>,
          %sub3A_498 = arith.subf %get3A_494, %get3A_497 : vector<16xf32>
          %mul3A_499 = arith.mulf %gather3A_355, %sub3A_498 : vector<16xf32>
          %add3A_500 = arith.addf %mul3A_491, %mul3A_499 : vector<16xf32>
          %get3A_501 = arith.index_cast %scan3A_347 : i32 to index
          %get3A_502 = arith.index_cast %mul3A_480 : i32 to index
          %get3A_503 = tpu.vector_load %arg20[%get3A_501, %get3A_502] {strides = array<i32>} : memref<16x512xf32, #tpu.memory_space<vmem>>, vector<16xf32>,
          %get3A_504 = arith.index_cast %scan3A_347 : i32 to index
          %get3A_505 = arith.index_cast %mul3A_480 : i32 to index
          %get3A_506 = tpu.vector_load %arg23[%get3A_504, %get3A_505] {strides = array<i32>} : memref<16x512xf32, #tpu.memory_space<vmem>>, vector<16xf32>,
          %sub3A_507 = arith.subf %get3A_503, %get3A_506 : vector<16xf32>
          %mul3A_508 = arith.mulf %gather3A_358, %sub3A_507 : vector<16xf32>
          %add3A_509 = arith.addf %add3A_500, %mul3A_508 : vector<16xf32>
          %mul3A_510 = arith.mulf %get3A_483, %add3A_509 : vector<16xf32>
          %add3A_511 = arith.addf %add3A_476, %mul3A_510 : vector<16xf32>
          scf.yield %add3A_511 : vector<16xf32>
        }
        %scan3A_366 = arith.constant 32 : i32
        %reduce_sum3A = arith.constant true
        %reduce_sum3A_367 = vector.broadcast %reduce_sum3A : i1 to vector<16xi1>
        %reduce_sum3A_368 = tpu.scan <sum>, %scan3A_365 masked %reduce_sum3A_367 : vector<16xf32>, vector<16xi1> -> vector<16xf32>
        %reduce_sum3A_369 = vector.extract %reduce_sum3A_368[15] : f32 from vector<16xf32>
        %eq3A = vector.broadcast %scan3A_347 : i32 to vector<16xi32>
        %eq3A_370 = arith.cmpi eq, %iota3A, %eq3A : vector<16xi32>
        %broadcast_in_dim3A_371 = vector.broadcast %reduce_sum3A_369 : f32 to vector<16xf32>
        %select_n3A = arith.select %eq3A_370, %broadcast_in_dim3A_371, %scan3A_348 : vector<16xi1>, vector<16xf32>
        scf.yield %select_n3A : vector<16xf32>
      }
      %scan3A_230 = arith.constant 16 : i32
      %swap3A = arith.index_cast %mul3A_193 : i32 to index
      %swap3A_231 = tpu.vector_load %arg34[%swap3A] {strides = array<i32>} : memref<512xf32, #tpu.memory_space<vmem>>, vector<16xf32>,
      tpu.vector_store %arg34[%swap3A], %scan3A_229 {strides = array<i32>} : memref<512xf32, #tpu.memory_space<vmem>>, vector<16xf32>,
      %add3A_232 = arith.constant 2 : i32
      %add3A_233 = arith.addi %add3A_72, %add3A_232 : i32
      %lt3A = arith.constant 32 : i32
      %lt3A_234 = arith.cmpi slt, %add3A_233, %lt3A : i32
      %convert_element_type3A = arith.extui %lt3A_234 : i1 to i32
      %cond3A = arith.constant 0 : i32
      %cond3A_235 = arith.cmpi ne, %convert_element_type3A, %cond3A : i32
      scf.if %cond3A_235 {
        %add3A_347 = arith.constant 2 : i32
        %add3A_348 = arith.addi %add3A_72, %add3A_347 : i32
        %mul3A_349 = arith.constant 16 : i32
        %mul3A_350 = arith.muli %add3A_348, %mul3A_349 : i32
        %get3A_351 = arith.index_cast %mul3A_350 : i32 to index
        %get3A_352 = tpu.vector_load %arg11[%get3A_351] {strides = array<i32>} : memref<512xi32, #tpu.memory_space<vmem>>, vector<16xi32>,
        %add3A_353 = arith.constant 0 : i32
        %add3A_354 = vector.broadcast %add3A_353 : i32 to vector<16xi32>
        %add3A_355 = arith.addi %get3A_352, %add3A_354 : vector<16xi32>
        %shift_right_logical3A_356 = arith.constant 7 : i32
        %shift_right_logical3A_357 = vector.broadcast %shift_right_logical3A_356 : i32 to vector<16xi32>
        %shift_right_logical3A_358 = arith.shrui %add3A_355, %shift_right_logical3A_357 : vector<16xi32>
        %add3A_359 = arith.constant 100000 : i32
        %add3A_360 = vector.broadcast %add3A_359 : i32 to vector<16xi32>
        %add3A_361 = arith.addi %get3A_352, %add3A_360 : vector<16xi32>
        %shift_right_logical3A_362 = arith.constant 7 : i32
        %shift_right_logical3A_363 = vector.broadcast %shift_right_logical3A_362 : i32 to vector<16xi32>
        %shift_right_logical3A_364 = arith.shrui %add3A_361, %shift_right_logical3A_363 : vector<16xi32>
        %add3A_365 = arith.constant 200000 : i32
        %add3A_366 = vector.broadcast %add3A_365 : i32 to vector<16xi32>
        %add3A_367 = arith.addi %get3A_352, %add3A_366 : vector<16xi32>
        %shift_right_logical3A_368 = arith.constant 7 : i32
        %shift_right_logical3A_369 = vector.broadcast %shift_right_logical3A_368 : i32 to vector<16xi32>
        %shift_right_logical3A_370 = arith.shrui %add3A_367, %shift_right_logical3A_369 : vector<16xi32>
        %dma_start3A_371 = tpu.memref_slice %arg11[%mul3A_350] : memref<512xi32, #tpu.memory_space<vmem>> -> memref<16xi32, #tpu.memory_space<vmem>>
        %dma_start3A_372 = arith.constant 0 : i32
        %dma_start3A_373 = arith.constant 0 : i32
        %dma_start3A_374 = tpu.memref_slice %arg5[%dma_start3A_372, %dma_start3A_373] : memref<100000x512xf32, #tpu.memory_space<hbm>> -> memref<100000x512xf32, #tpu.memory_space<hbm>>
        tpu.enqueue_indirect_dma source(%dma_start3A_374 : memref<100000x512xf32, #tpu.memory_space<hbm>>) target(%arg14 : memref<16x512xf32, #tpu.memory_space<vmem>>) offsets(%dma_start3A_371 : memref<16xi32, #tpu.memory_space<vmem>>) semaphore(%arg35 : memref<!tpu.dma_semaphore, #tpu.memory_space<semaphore_mem>>)
        %dma_start3A_375 = tpu.memref_slice %arg12[%mul3A_350] : memref<512xi32, #tpu.memory_space<vmem>> -> memref<16xi32, #tpu.memory_space<vmem>>
        %dma_start3A_376 = arith.constant 0 : i32
        %dma_start3A_377 = arith.constant 0 : i32
        %dma_start3A_378 = tpu.memref_slice %arg7[%dma_start3A_376, %dma_start3A_377] : memref<100000x512xf32, #tpu.memory_space<hbm>> -> memref<100000x512xf32, #tpu.memory_space<hbm>>
        tpu.enqueue_indirect_dma source(%dma_start3A_378 : memref<100000x512xf32, #tpu.memory_space<hbm>>) target(%arg18 : memref<16x512xf32, #tpu.memory_space<vmem>>) offsets(%dma_start3A_375 : memref<16xi32, #tpu.memory_space<vmem>>) semaphore(%arg35 : memref<!tpu.dma_semaphore, #tpu.memory_space<semaphore_mem>>)
        %dma_start3A_379 = tpu.memref_slice %arg12[%mul3A_350] : memref<512xi32, #tpu.memory_space<vmem>> -> memref<16xi32, #tpu.memory_space<vmem>>
        %dma_start3A_380 = arith.constant 0 : i32
        %dma_start3A_381 = arith.constant 0 : i32
        %dma_start3A_382 = tpu.memref_slice %arg8[%dma_start3A_380, %dma_start3A_381] : memref<100000x512xf32, #tpu.memory_space<hbm>> -> memref<100000x512xf32, #tpu.memory_space<hbm>>
        tpu.enqueue_indirect_dma source(%dma_start3A_382 : memref<100000x512xf32, #tpu.memory_space<hbm>>) target(%arg19 : memref<16x512xf32, #tpu.memory_space<vmem>>) offsets(%dma_start3A_379 : memref<16xi32, #tpu.memory_space<vmem>>) semaphore(%arg35 : memref<!tpu.dma_semaphore, #tpu.memory_space<semaphore_mem>>)
        %dma_start3A_383 = tpu.memref_slice %arg12[%mul3A_350] : memref<512xi32, #tpu.memory_space<vmem>> -> memref<16xi32, #tpu.memory_space<vmem>>
        %dma_start3A_384 = arith.constant 0 : i32
        %dma_start3A_385 = arith.constant 0 : i32
        %dma_start3A_386 = tpu.memref_slice %arg9[%dma_start3A_384, %dma_start3A_385] : memref<100000x512xf32, #tpu.memory_space<hbm>> -> memref<100000x512xf32, #tpu.memory_space<hbm>>
        tpu.enqueue_indirect_dma source(%dma_start3A_386 : memref<100000x512xf32, #tpu.memory_space<hbm>>) target(%arg20 : memref<16x512xf32, #tpu.memory_space<vmem>>) offsets(%dma_start3A_383 : memref<16xi32, #tpu.memory_space<vmem>>) semaphore(%arg35 : memref<!tpu.dma_semaphore, #tpu.memory_space<semaphore_mem>>)
        %dma_start3A_387 = tpu.memref_slice %arg13[%mul3A_350] : memref<512xi32, #tpu.memory_space<vmem>> -> memref<16xi32, #tpu.memory_space<vmem>>
        %dma_start3A_388 = arith.constant 0 : i32
        %dma_start3A_389 = arith.constant 0 : i32
        %dma_start3A_390 = tpu.memref_slice %arg7[%dma_start3A_388, %dma_start3A_389] : memref<100000x512xf32, #tpu.memory_space<hbm>> -> memref<100000x512xf32, #tpu.memory_space<hbm>>
        tpu.enqueue_indirect_dma source(%dma_start3A_390 : memref<100000x512xf32, #tpu.memory_space<hbm>>) target(%arg21 : memref<16x512xf32, #tpu.memory_space<vmem>>) offsets(%dma_start3A_387 : memref<16xi32, #tpu.memory_space<vmem>>) semaphore(%arg35 : memref<!tpu.dma_semaphore, #tpu.memory_space<semaphore_mem>>)
        %dma_start3A_391 = tpu.memref_slice %arg13[%mul3A_350] : memref<512xi32, #tpu.memory_space<vmem>> -> memref<16xi32, #tpu.memory_space<vmem>>
        %dma_start3A_392 = arith.constant 0 : i32
        %dma_start3A_393 = arith.constant 0 : i32
        %dma_start3A_394 = tpu.memref_slice %arg8[%dma_start3A_392, %dma_start3A_393] : memref<100000x512xf32, #tpu.memory_space<hbm>> -> memref<100000x512xf32, #tpu.memory_space<hbm>>
        tpu.enqueue_indirect_dma source(%dma_start3A_394 : memref<100000x512xf32, #tpu.memory_space<hbm>>) target(%arg22 : memref<16x512xf32, #tpu.memory_space<vmem>>) offsets(%dma_start3A_391 : memref<16xi32, #tpu.memory_space<vmem>>) semaphore(%arg35 : memref<!tpu.dma_semaphore, #tpu.memory_space<semaphore_mem>>)
        %dma_start3A_395 = tpu.memref_slice %arg13[%mul3A_350] : memref<512xi32, #tpu.memory_space<vmem>> -> memref<16xi32, #tpu.memory_space<vmem>>
        %dma_start3A_396 = arith.constant 0 : i32
        %dma_start3A_397 = arith.constant 0 : i32
        %dma_start3A_398 = tpu.memref_slice %arg9[%dma_start3A_396, %dma_start3A_397] : memref<100000x512xf32, #tpu.memory_space<hbm>> -> memref<100000x512xf32, #tpu.memory_space<hbm>>
        tpu.enqueue_indirect_dma source(%dma_start3A_398 : memref<100000x512xf32, #tpu.memory_space<hbm>>) target(%arg23 : memref<16x512xf32, #tpu.memory_space<vmem>>) offsets(%dma_start3A_395 : memref<16xi32, #tpu.memory_space<vmem>>) semaphore(%arg35 : memref<!tpu.dma_semaphore, #tpu.memory_space<semaphore_mem>>)
        %dma_start3A_399 = arith.constant 0 : i32
        %dma_start3A_400 = arith.constant 0 : i32
        %dma_start3A_401 = tpu.memref_slice %arg6[%dma_start3A_399, %dma_start3A_400] : memref<2345x128xf32, #tpu.memory_space<hbm>> -> memref<2345x128xf32, #tpu.memory_space<hbm>>
        tpu.enqueue_indirect_dma source(%dma_start3A_401 : memref<2345x128xf32, #tpu.memory_space<hbm>>) target(%arg15 : memref<16x128xf32, #tpu.memory_space<vmem>>) offsets(%shift_right_logical3A_358 : vector<16xi32>) semaphore(%arg35 : memref<!tpu.dma_semaphore, #tpu.memory_space<semaphore_mem>>)
        %dma_start3A_402 = arith.constant 0 : i32
        %dma_start3A_403 = arith.constant 0 : i32
        %dma_start3A_404 = tpu.memref_slice %arg6[%dma_start3A_402, %dma_start3A_403] : memref<2345x128xf32, #tpu.memory_space<hbm>> -> memref<2345x128xf32, #tpu.memory_space<hbm>>
        tpu.enqueue_indirect_dma source(%dma_start3A_404 : memref<2345x128xf32, #tpu.memory_space<hbm>>) target(%arg16 : memref<16x128xf32, #tpu.memory_space<vmem>>) offsets(%shift_right_logical3A_364 : vector<16xi32>) semaphore(%arg35 : memref<!tpu.dma_semaphore, #tpu.memory_space<semaphore_mem>>)
        %dma_start3A_405 = arith.constant 0 : i32
        %dma_start3A_406 = arith.constant 0 : i32
        %dma_start3A_407 = tpu.memref_slice %arg6[%dma_start3A_405, %dma_start3A_406] : memref<2345x128xf32, #tpu.memory_space<hbm>> -> memref<2345x128xf32, #tpu.memory_space<hbm>>
        tpu.enqueue_indirect_dma source(%dma_start3A_407 : memref<2345x128xf32, #tpu.memory_space<hbm>>) target(%arg17 : memref<16x128xf32, #tpu.memory_space<vmem>>) offsets(%shift_right_logical3A_370 : vector<16xi32>) semaphore(%arg35 : memref<!tpu.dma_semaphore, #tpu.memory_space<semaphore_mem>>)
      } else {
      }
      %add3A_236 = arith.constant 1 : i32
      %add3A_237 = arith.addi %add3A_72, %add3A_236 : i32
      %mul3A_238 = arith.constant 16 : i32
      %mul3A_239 = arith.muli %add3A_237, %mul3A_238 : i32
      %get3A_240 = arith.index_cast %mul3A_239 : i32 to index
      %get3A_241 = tpu.vector_load %arg11[%get3A_240] {strides = array<i32>} : memref<512xi32, #tpu.memory_space<vmem>>, vector<16xi32>,
      %add3A_242 = arith.constant 0 : i32
      %add3A_243 = vector.broadcast %add3A_242 : i32 to vector<16xi32>
      %add3A_244 = arith.addi %get3A_241, %add3A_243 : vector<16xi32>
      %shift_right_logical3A_245 = arith.constant 7 : i32
      %shift_right_logical3A_246 = vector.broadcast %shift_right_logical3A_245 : i32 to vector<16xi32>
      %shift_right_logical3A_247 = arith.shrui %add3A_244, %shift_right_logical3A_246 : vector<16xi32>
      %add3A_248 = arith.constant 100000 : i32
      %add3A_249 = vector.broadcast %add3A_248 : i32 to vector<16xi32>
      %add3A_250 = arith.addi %get3A_241, %add3A_249 : vector<16xi32>
      %shift_right_logical3A_251 = arith.constant 7 : i32
      %shift_right_logical3A_252 = vector.broadcast %shift_right_logical3A_251 : i32 to vector<16xi32>
      %shift_right_logical3A_253 = arith.shrui %add3A_250, %shift_right_logical3A_252 : vector<16xi32>
      %add3A_254 = arith.constant 200000 : i32
      %add3A_255 = vector.broadcast %add3A_254 : i32 to vector<16xi32>
      %add3A_256 = arith.addi %get3A_241, %add3A_255 : vector<16xi32>
      %shift_right_logical3A_257 = arith.constant 7 : i32
      %shift_right_logical3A_258 = vector.broadcast %shift_right_logical3A_257 : i32 to vector<16xi32>
      %shift_right_logical3A_259 = arith.shrui %add3A_256, %shift_right_logical3A_258 : vector<16xi32>
      %dma_wait3A_260 = tpu.memref_slice %arg11[%mul3A_239] : memref<512xi32, #tpu.memory_space<vmem>> -> memref<16xi32, #tpu.memory_space<vmem>>
      %dma_wait3A_261 = arith.constant 0 : i32
      %dma_wait3A_262 = arith.constant 0 : i32
      %dma_wait3A_263 = tpu.memref_slice %arg5[%dma_wait3A_261, %dma_wait3A_262] : memref<100000x512xf32, #tpu.memory_space<hbm>> -> memref<100000x512xf32, #tpu.memory_space<hbm>>
      tpu.wait_indirect_dma semaphore(%arg36 : memref<!tpu.dma_semaphore, #tpu.memory_space<semaphore_mem>>) src(%dma_wait3A_263 : memref<100000x512xf32, #tpu.memory_space<hbm>>) dst(%arg24 : memref<16x512xf32, #tpu.memory_space<vmem>>)
      %dma_wait3A_264 = tpu.memref_slice %arg12[%mul3A_239] : memref<512xi32, #tpu.memory_space<vmem>> -> memref<16xi32, #tpu.memory_space<vmem>>
      %dma_wait3A_265 = arith.constant 0 : i32
      %dma_wait3A_266 = arith.constant 0 : i32
      %dma_wait3A_267 = tpu.memref_slice %arg7[%dma_wait3A_265, %dma_wait3A_266] : memref<100000x512xf32, #tpu.memory_space<hbm>> -> memref<100000x512xf32, #tpu.memory_space<hbm>>
      tpu.wait_indirect_dma semaphore(%arg36 : memref<!tpu.dma_semaphore, #tpu.memory_space<semaphore_mem>>) src(%dma_wait3A_267 : memref<100000x512xf32, #tpu.memory_space<hbm>>) dst(%arg28 : memref<16x512xf32, #tpu.memory_space<vmem>>)
      %dma_wait3A_268 = tpu.memref_slice %arg12[%mul3A_239] : memref<512xi32, #tpu.memory_space<vmem>> -> memref<16xi32, #tpu.memory_space<vmem>>
      %dma_wait3A_269 = arith.constant 0 : i32
      %dma_wait3A_270 = arith.constant 0 : i32
      %dma_wait3A_271 = tpu.memref_slice %arg8[%dma_wait3A_269, %dma_wait3A_270] : memref<100000x512xf32, #tpu.memory_space<hbm>> -> memref<100000x512xf32, #tpu.memory_space<hbm>>
      tpu.wait_indirect_dma semaphore(%arg36 : memref<!tpu.dma_semaphore, #tpu.memory_space<semaphore_mem>>) src(%dma_wait3A_271 : memref<100000x512xf32, #tpu.memory_space<hbm>>) dst(%arg29 : memref<16x512xf32, #tpu.memory_space<vmem>>)
      %dma_wait3A_272 = tpu.memref_slice %arg12[%mul3A_239] : memref<512xi32, #tpu.memory_space<vmem>> -> memref<16xi32, #tpu.memory_space<vmem>>
      %dma_wait3A_273 = arith.constant 0 : i32
      %dma_wait3A_274 = arith.constant 0 : i32
      %dma_wait3A_275 = tpu.memref_slice %arg9[%dma_wait3A_273, %dma_wait3A_274] : memref<100000x512xf32, #tpu.memory_space<hbm>> -> memref<100000x512xf32, #tpu.memory_space<hbm>>
      tpu.wait_indirect_dma semaphore(%arg36 : memref<!tpu.dma_semaphore, #tpu.memory_space<semaphore_mem>>) src(%dma_wait3A_275 : memref<100000x512xf32, #tpu.memory_space<hbm>>) dst(%arg30 : memref<16x512xf32, #tpu.memory_space<vmem>>)
      %dma_wait3A_276 = tpu.memref_slice %arg13[%mul3A_239] : memref<512xi32, #tpu.memory_space<vmem>> -> memref<16xi32, #tpu.memory_space<vmem>>
      %dma_wait3A_277 = arith.constant 0 : i32
      %dma_wait3A_278 = arith.constant 0 : i32
      %dma_wait3A_279 = tpu.memref_slice %arg7[%dma_wait3A_277, %dma_wait3A_278] : memref<100000x512xf32, #tpu.memory_space<hbm>> -> memref<100000x512xf32, #tpu.memory_space<hbm>>
      tpu.wait_indirect_dma semaphore(%arg36 : memref<!tpu.dma_semaphore, #tpu.memory_space<semaphore_mem>>) src(%dma_wait3A_279 : memref<100000x512xf32, #tpu.memory_space<hbm>>) dst(%arg31 : memref<16x512xf32, #tpu.memory_space<vmem>>)
      %dma_wait3A_280 = tpu.memref_slice %arg13[%mul3A_239] : memref<512xi32, #tpu.memory_space<vmem>> -> memref<16xi32, #tpu.memory_space<vmem>>
      %dma_wait3A_281 = arith.constant 0 : i32
      %dma_wait3A_282 = arith.constant 0 : i32
      %dma_wait3A_283 = tpu.memref_slice %arg8[%dma_wait3A_281, %dma_wait3A_282] : memref<100000x512xf32, #tpu.memory_space<hbm>> -> memref<100000x512xf32, #tpu.memory_space<hbm>>
      tpu.wait_indirect_dma semaphore(%arg36 : memref<!tpu.dma_semaphore, #tpu.memory_space<semaphore_mem>>) src(%dma_wait3A_283 : memref<100000x512xf32, #tpu.memory_space<hbm>>) dst(%arg32 : memref<16x512xf32, #tpu.memory_space<vmem>>)
      %dma_wait3A_284 = tpu.memref_slice %arg13[%mul3A_239] : memref<512xi32, #tpu.memory_space<vmem>> -> memref<16xi32, #tpu.memory_space<vmem>>
      %dma_wait3A_285 = arith.constant 0 : i32
      %dma_wait3A_286 = arith.constant 0 : i32
      %dma_wait3A_287 = tpu.memref_slice %arg9[%dma_wait3A_285, %dma_wait3A_286] : memref<100000x512xf32, #tpu.memory_space<hbm>> -> memref<100000x512xf32, #tpu.memory_space<hbm>>
      tpu.wait_indirect_dma semaphore(%arg36 : memref<!tpu.dma_semaphore, #tpu.memory_space<semaphore_mem>>) src(%dma_wait3A_287 : memref<100000x512xf32, #tpu.memory_space<hbm>>) dst(%arg33 : memref<16x512xf32, #tpu.memory_space<vmem>>)
      %dma_wait3A_288 = arith.constant 0 : i32
      %dma_wait3A_289 = arith.constant 0 : i32
      %dma_wait3A_290 = tpu.memref_slice %arg6[%dma_wait3A_288, %dma_wait3A_289] : memref<2345x128xf32, #tpu.memory_space<hbm>> -> memref<2345x128xf32, #tpu.memory_space<hbm>>
      tpu.wait_indirect_dma semaphore(%arg36 : memref<!tpu.dma_semaphore, #tpu.memory_space<semaphore_mem>>) src(%dma_wait3A_290 : memref<2345x128xf32, #tpu.memory_space<hbm>>) dst(%arg25 : memref<16x128xf32, #tpu.memory_space<vmem>>)
      %dma_wait3A_291 = arith.constant 0 : i32
      %dma_wait3A_292 = arith.constant 0 : i32
      %dma_wait3A_293 = tpu.memref_slice %arg6[%dma_wait3A_291, %dma_wait3A_292] : memref<2345x128xf32, #tpu.memory_space<hbm>> -> memref<2345x128xf32, #tpu.memory_space<hbm>>
      tpu.wait_indirect_dma semaphore(%arg36 : memref<!tpu.dma_semaphore, #tpu.memory_space<semaphore_mem>>) src(%dma_wait3A_293 : memref<2345x128xf32, #tpu.memory_space<hbm>>) dst(%arg26 : memref<16x128xf32, #tpu.memory_space<vmem>>)
      %dma_wait3A_294 = arith.constant 0 : i32
      %dma_wait3A_295 = arith.constant 0 : i32
      %dma_wait3A_296 = tpu.memref_slice %arg6[%dma_wait3A_294, %dma_wait3A_295] : memref<2345x128xf32, #tpu.memory_space<hbm>> -> memref<2345x128xf32, #tpu.memory_space<hbm>>
      tpu.wait_indirect_dma semaphore(%arg36 : memref<!tpu.dma_semaphore, #tpu.memory_space<semaphore_mem>>) src(%dma_wait3A_296 : memref<2345x128xf32, #tpu.memory_space<hbm>>) dst(%arg27 : memref<16x128xf32, #tpu.memory_space<vmem>>)
      %add3A_297 = arith.constant 1 : i32
      %add3A_298 = arith.addi %add3A_72, %add3A_297 : i32
      %mul3A_299 = arith.constant 16 : i32
      %mul3A_300 = arith.muli %add3A_298, %mul3A_299 : i32
      %get3A_301 = arith.index_cast %mul3A_300 : i32 to index
      %get3A_302 = tpu.vector_load %arg11[%get3A_301] {strides = array<i32>} : memref<512xi32, #tpu.memory_space<vmem>>, vector<16xi32>,
      %and3A_303 = arith.constant 127 : i32
      %and3A_304 = vector.broadcast %and3A_303 : i32 to vector<16xi32>
      %and3A_305 = arith.andi %get3A_302, %and3A_304 : vector<16xi32>
      %gather3A_306 = tpu.vector_load_idx %arg25[%iota3A, %and3A_305] : memref<16x128xf32, #tpu.memory_space<vmem>>[vector<16xi32>, vector<16xi32>], vector<16xf32>,
      %add3A_307 = arith.constant 100000 : i32
      %add3A_308 = vector.broadcast %add3A_307 : i32 to vector<16xi32>
      %add3A_309 = arith.addi %get3A_302, %add3A_308 : vector<16xi32>
      %and3A_310 = arith.constant 127 : i32
      %and3A_311 = vector.broadcast %and3A_310 : i32 to vector<16xi32>
      %and3A_312 = arith.andi %add3A_309, %and3A_311 : vector<16xi32>
      %gather3A_313 = tpu.vector_load_idx %arg26[%iota3A, %and3A_312] : memref<16x128xf32, #tpu.memory_space<vmem>>[vector<16xi32>, vector<16xi32>], vector<16xf32>,
      %add3A_314 = arith.constant 200000 : i32
      %add3A_315 = vector.broadcast %add3A_314 : i32 to vector<16xi32>
      %add3A_316 = arith.addi %get3A_302, %add3A_315 : vector<16xi32>
      %and3A_317 = arith.constant 127 : i32
      %and3A_318 = vector.broadcast %and3A_317 : i32 to vector<16xi32>
      %and3A_319 = arith.andi %add3A_316, %and3A_318 : vector<16xi32>
      %gather3A_320 = tpu.vector_load_idx %arg27[%iota3A, %and3A_319] : memref<16x128xf32, #tpu.memory_space<vmem>>[vector<16xi32>, vector<16xi32>], vector<16xf32>,
      %max3A_321 = arith.maximumf %gather3A_306, %gather3A_313 : vector<16xf32>
      %max3A_322 = arith.maximumf %max3A_321, %gather3A_320 : vector<16xf32>
      %sub3A_323 = arith.subf %gather3A_306, %max3A_322 : vector<16xf32>
      %exp3A_324 = math.exp %sub3A_323 : vector<16xf32>
      %sub3A_325 = arith.subf %gather3A_313, %max3A_322 : vector<16xf32>
      %exp3A_326 = math.exp %sub3A_325 : vector<16xf32>
      %sub3A_327 = arith.subf %gather3A_320, %max3A_322 : vector<16xf32>
      %exp3A_328 = math.exp %sub3A_327 : vector<16xf32>
      %add3A_329 = arith.addf %exp3A_324, %exp3A_326 : vector<16xf32>
      %add3A_330 = arith.addf %add3A_329, %exp3A_328 : vector<16xf32>
      %div3A_331 = arith.constant 1.000000e+00 : f32
      %div3A_332 = vector.broadcast %div3A_331 : f32 to vector<16xf32>
      %div3A_333 = arith.divf %div3A_332, %add3A_330 : vector<16xf32>
      %mul3A_334 = arith.mulf %exp3A_324, %div3A_333 : vector<16xf32>
      %mul3A_335 = arith.mulf %exp3A_326, %div3A_333 : vector<16xf32>
      %mul3A_336 = arith.mulf %exp3A_328, %div3A_333 : vector<16xf32>
      %broadcast_in_dim3A_337 = arith.constant 0.000000e+00 : f32
      %broadcast_in_dim3A_338 = vector.broadcast %broadcast_in_dim3A_337 : f32 to vector<16xf32>
      %scan3A_339 = arith.constant 0 : i32
      %scan3A_340 = arith.constant 16 : i32
      %scan3A_341 = arith.addi %scan3A_339, %scan3A_340 : i32
      %scan3A_342 = arith.constant 1 : i32
      %scan3A_343 = scf.for %scan3A_347 = %scan3A_339 to %scan3A_341 step %scan3A_342 iter_args(%scan3A_348 = %broadcast_in_dim3A_338) -> (vector<16xf32>)  : i32 {
        %broadcast_in_dim3A_349 = vector.broadcast %scan3A_347 : i32 to vector<16xi32>
        %broadcast_in_dim3A_350 = vector.shape_cast %broadcast_in_dim3A_349 : vector<16xi32> to vector<16x1xi32>
        %gather3A_351 = vector.shape_cast %broadcast_in_dim3A_350 : vector<16x1xi32> to vector<16xi32>
        %gather3A_352 = tpu.dynamic_gather %mul3A_334[%gather3A_351] in [0] : vector<16xf32>, vector<16xi32> -> vector<16xf32>
        %broadcast_in_dim3A_353 = vector.shape_cast %broadcast_in_dim3A_349 : vector<16xi32> to vector<16x1xi32>
        %gather3A_354 = vector.shape_cast %broadcast_in_dim3A_353 : vector<16x1xi32> to vector<16xi32>
        %gather3A_355 = tpu.dynamic_gather %mul3A_335[%gather3A_354] in [0] : vector<16xf32>, vector<16xi32> -> vector<16xf32>
        %broadcast_in_dim3A_356 = vector.shape_cast %broadcast_in_dim3A_349 : vector<16xi32> to vector<16x1xi32>
        %gather3A_357 = vector.shape_cast %broadcast_in_dim3A_356 : vector<16x1xi32> to vector<16xi32>
        %gather3A_358 = tpu.dynamic_gather %mul3A_336[%gather3A_357] in [0] : vector<16xf32>, vector<16xi32> -> vector<16xf32>
        %broadcast_in_dim3A_359 = arith.constant 0.000000e+00 : f32
        %broadcast_in_dim3A_360 = vector.broadcast %broadcast_in_dim3A_359 : f32 to vector<16xf32>
        %scan3A_361 = arith.constant 0 : i32
        %scan3A_362 = arith.constant 32 : i32
        %scan3A_363 = arith.addi %scan3A_361, %scan3A_362 : i32
        %scan3A_364 = arith.constant 4 : i32
        %scan3A_365 = scf.for %scan3A_372 = %scan3A_361 to %scan3A_363 step %scan3A_364 iter_args(%scan3A_373 = %broadcast_in_dim3A_360) -> (vector<16xf32>)  : i32 {
          %mul3A_374 = arith.constant 16 : i32
          %mul3A_375 = arith.muli %scan3A_372, %mul3A_374 : i32
          %get3A_376 = arith.index_cast %scan3A_347 : i32 to index
          %get3A_377 = arith.index_cast %mul3A_375 : i32 to index
          %get3A_378 = tpu.vector_load %arg24[%get3A_376, %get3A_377] {strides = array<i32>} : memref<16x512xf32, #tpu.memory_space<vmem>>, vector<16xf32>,
          %get3A_379 = arith.index_cast %scan3A_347 : i32 to index
          %get3A_380 = arith.index_cast %mul3A_375 : i32 to index
          %get3A_381 = tpu.vector_load %arg28[%get3A_379, %get3A_380] {strides = array<i32>} : memref<16x512xf32, #tpu.memory_space<vmem>>, vector<16xf32>,
          %get3A_382 = arith.index_cast %scan3A_347 : i32 to index
          %get3A_383 = arith.index_cast %mul3A_375 : i32 to index
          %get3A_384 = tpu.vector_load %arg31[%get3A_382, %get3A_383] {strides = array<i32>} : memref<16x512xf32, #tpu.memory_space<vmem>>, vector<16xf32>,
          %sub3A_385 = arith.subf %get3A_381, %get3A_384 : vector<16xf32>
          %mul3A_386 = arith.mulf %gather3A_352, %sub3A_385 : vector<16xf32>
          %get3A_387 = arith.index_cast %scan3A_347 : i32 to index
          %get3A_388 = arith.index_cast %mul3A_375 : i32 to index
          %get3A_389 = tpu.vector_load %arg29[%get3A_387, %get3A_388] {strides = array<i32>} : memref<16x512xf32, #tpu.memory_space<vmem>>, vector<16xf32>,
          %get3A_390 = arith.index_cast %scan3A_347 : i32 to index
          %get3A_391 = arith.index_cast %mul3A_375 : i32 to index
          %get3A_392 = tpu.vector_load %arg32[%get3A_390, %get3A_391] {strides = array<i32>} : memref<16x512xf32, #tpu.memory_space<vmem>>, vector<16xf32>,
          %sub3A_393 = arith.subf %get3A_389, %get3A_392 : vector<16xf32>
          %mul3A_394 = arith.mulf %gather3A_355, %sub3A_393 : vector<16xf32>
          %add3A_395 = arith.addf %mul3A_386, %mul3A_394 : vector<16xf32>
          %get3A_396 = arith.index_cast %scan3A_347 : i32 to index
          %get3A_397 = arith.index_cast %mul3A_375 : i32 to index
          %get3A_398 = tpu.vector_load %arg30[%get3A_396, %get3A_397] {strides = array<i32>} : memref<16x512xf32, #tpu.memory_space<vmem>>, vector<16xf32>,
          %get3A_399 = arith.index_cast %scan3A_347 : i32 to index
          %get3A_400 = arith.index_cast %mul3A_375 : i32 to index
          %get3A_401 = tpu.vector_load %arg33[%get3A_399, %get3A_400] {strides = array<i32>} : memref<16x512xf32, #tpu.memory_space<vmem>>, vector<16xf32>,
          %sub3A_402 = arith.subf %get3A_398, %get3A_401 : vector<16xf32>
          %mul3A_403 = arith.mulf %gather3A_358, %sub3A_402 : vector<16xf32>
          %add3A_404 = arith.addf %add3A_395, %mul3A_403 : vector<16xf32>
          %mul3A_405 = arith.mulf %get3A_378, %add3A_404 : vector<16xf32>
          %add3A_406 = arith.addf %scan3A_373, %mul3A_405 : vector<16xf32>
          %scan3A_407 = arith.constant 1 : i32
          %scan3A_408 = arith.addi %scan3A_372, %scan3A_407 : i32
          %mul3A_409 = arith.constant 16 : i32
          %mul3A_410 = arith.muli %scan3A_408, %mul3A_409 : i32
          %get3A_411 = arith.index_cast %scan3A_347 : i32 to index
          %get3A_412 = arith.index_cast %mul3A_410 : i32 to index
          %get3A_413 = tpu.vector_load %arg24[%get3A_411, %get3A_412] {strides = array<i32>} : memref<16x512xf32, #tpu.memory_space<vmem>>, vector<16xf32>,
          %get3A_414 = arith.index_cast %scan3A_347 : i32 to index
          %get3A_415 = arith.index_cast %mul3A_410 : i32 to index
          %get3A_416 = tpu.vector_load %arg28[%get3A_414, %get3A_415] {strides = array<i32>} : memref<16x512xf32, #tpu.memory_space<vmem>>, vector<16xf32>,
          %get3A_417 = arith.index_cast %scan3A_347 : i32 to index
          %get3A_418 = arith.index_cast %mul3A_410 : i32 to index
          %get3A_419 = tpu.vector_load %arg31[%get3A_417, %get3A_418] {strides = array<i32>} : memref<16x512xf32, #tpu.memory_space<vmem>>, vector<16xf32>,
          %sub3A_420 = arith.subf %get3A_416, %get3A_419 : vector<16xf32>
          %mul3A_421 = arith.mulf %gather3A_352, %sub3A_420 : vector<16xf32>
          %get3A_422 = arith.index_cast %scan3A_347 : i32 to index
          %get3A_423 = arith.index_cast %mul3A_410 : i32 to index
          %get3A_424 = tpu.vector_load %arg29[%get3A_422, %get3A_423] {strides = array<i32>} : memref<16x512xf32, #tpu.memory_space<vmem>>, vector<16xf32>,
          %get3A_425 = arith.index_cast %scan3A_347 : i32 to index
          %get3A_426 = arith.index_cast %mul3A_410 : i32 to index
          %get3A_427 = tpu.vector_load %arg32[%get3A_425, %get3A_426] {strides = array<i32>} : memref<16x512xf32, #tpu.memory_space<vmem>>, vector<16xf32>,
          %sub3A_428 = arith.subf %get3A_424, %get3A_427 : vector<16xf32>
          %mul3A_429 = arith.mulf %gather3A_355, %sub3A_428 : vector<16xf32>
          %add3A_430 = arith.addf %mul3A_421, %mul3A_429 : vector<16xf32>
          %get3A_431 = arith.index_cast %scan3A_347 : i32 to index
          %get3A_432 = arith.index_cast %mul3A_410 : i32 to index
          %get3A_433 = tpu.vector_load %arg30[%get3A_431, %get3A_432] {strides = array<i32>} : memref<16x512xf32, #tpu.memory_space<vmem>>, vector<16xf32>,
          %get3A_434 = arith.index_cast %scan3A_347 : i32 to index
          %get3A_435 = arith.index_cast %mul3A_410 : i32 to index
          %get3A_436 = tpu.vector_load %arg33[%get3A_434, %get3A_435] {strides = array<i32>} : memref<16x512xf32, #tpu.memory_space<vmem>>, vector<16xf32>,
          %sub3A_437 = arith.subf %get3A_433, %get3A_436 : vector<16xf32>
          %mul3A_438 = arith.mulf %gather3A_358, %sub3A_437 : vector<16xf32>
          %add3A_439 = arith.addf %add3A_430, %mul3A_438 : vector<16xf32>
          %mul3A_440 = arith.mulf %get3A_413, %add3A_439 : vector<16xf32>
          %add3A_441 = arith.addf %add3A_406, %mul3A_440 : vector<16xf32>
          %scan3A_442 = arith.constant 2 : i32
          %scan3A_443 = arith.addi %scan3A_372, %scan3A_442 : i32
          %mul3A_444 = arith.constant 16 : i32
          %mul3A_445 = arith.muli %scan3A_443, %mul3A_444 : i32
          %get3A_446 = arith.index_cast %scan3A_347 : i32 to index
          %get3A_447 = arith.index_cast %mul3A_445 : i32 to index
          %get3A_448 = tpu.vector_load %arg24[%get3A_446, %get3A_447] {strides = array<i32>} : memref<16x512xf32, #tpu.memory_space<vmem>>, vector<16xf32>,
          %get3A_449 = arith.index_cast %scan3A_347 : i32 to index
          %get3A_450 = arith.index_cast %mul3A_445 : i32 to index
          %get3A_451 = tpu.vector_load %arg28[%get3A_449, %get3A_450] {strides = array<i32>} : memref<16x512xf32, #tpu.memory_space<vmem>>, vector<16xf32>,
          %get3A_452 = arith.index_cast %scan3A_347 : i32 to index
          %get3A_453 = arith.index_cast %mul3A_445 : i32 to index
          %get3A_454 = tpu.vector_load %arg31[%get3A_452, %get3A_453] {strides = array<i32>} : memref<16x512xf32, #tpu.memory_space<vmem>>, vector<16xf32>,
          %sub3A_455 = arith.subf %get3A_451, %get3A_454 : vector<16xf32>
          %mul3A_456 = arith.mulf %gather3A_352, %sub3A_455 : vector<16xf32>
          %get3A_457 = arith.index_cast %scan3A_347 : i32 to index
          %get3A_458 = arith.index_cast %mul3A_445 : i32 to index
          %get3A_459 = tpu.vector_load %arg29[%get3A_457, %get3A_458] {strides = array<i32>} : memref<16x512xf32, #tpu.memory_space<vmem>>, vector<16xf32>,
          %get3A_460 = arith.index_cast %scan3A_347 : i32 to index
          %get3A_461 = arith.index_cast %mul3A_445 : i32 to index
          %get3A_462 = tpu.vector_load %arg32[%get3A_460, %get3A_461] {strides = array<i32>} : memref<16x512xf32, #tpu.memory_space<vmem>>, vector<16xf32>,
          %sub3A_463 = arith.subf %get3A_459, %get3A_462 : vector<16xf32>
          %mul3A_464 = arith.mulf %gather3A_355, %sub3A_463 : vector<16xf32>
          %add3A_465 = arith.addf %mul3A_456, %mul3A_464 : vector<16xf32>
          %get3A_466 = arith.index_cast %scan3A_347 : i32 to index
          %get3A_467 = arith.index_cast %mul3A_445 : i32 to index
          %get3A_468 = tpu.vector_load %arg30[%get3A_466, %get3A_467] {strides = array<i32>} : memref<16x512xf32, #tpu.memory_space<vmem>>, vector<16xf32>,
          %get3A_469 = arith.index_cast %scan3A_347 : i32 to index
          %get3A_470 = arith.index_cast %mul3A_445 : i32 to index
          %get3A_471 = tpu.vector_load %arg33[%get3A_469, %get3A_470] {strides = array<i32>} : memref<16x512xf32, #tpu.memory_space<vmem>>, vector<16xf32>,
          %sub3A_472 = arith.subf %get3A_468, %get3A_471 : vector<16xf32>
          %mul3A_473 = arith.mulf %gather3A_358, %sub3A_472 : vector<16xf32>
          %add3A_474 = arith.addf %add3A_465, %mul3A_473 : vector<16xf32>
          %mul3A_475 = arith.mulf %get3A_448, %add3A_474 : vector<16xf32>
          %add3A_476 = arith.addf %add3A_441, %mul3A_475 : vector<16xf32>
          %scan3A_477 = arith.constant 3 : i32
          %scan3A_478 = arith.addi %scan3A_372, %scan3A_477 : i32
          %mul3A_479 = arith.constant 16 : i32
          %mul3A_480 = arith.muli %scan3A_478, %mul3A_479 : i32
          %get3A_481 = arith.index_cast %scan3A_347 : i32 to index
          %get3A_482 = arith.index_cast %mul3A_480 : i32 to index
          %get3A_483 = tpu.vector_load %arg24[%get3A_481, %get3A_482] {strides = array<i32>} : memref<16x512xf32, #tpu.memory_space<vmem>>, vector<16xf32>,
          %get3A_484 = arith.index_cast %scan3A_347 : i32 to index
          %get3A_485 = arith.index_cast %mul3A_480 : i32 to index
          %get3A_486 = tpu.vector_load %arg28[%get3A_484, %get3A_485] {strides = array<i32>} : memref<16x512xf32, #tpu.memory_space<vmem>>, vector<16xf32>,
          %get3A_487 = arith.index_cast %scan3A_347 : i32 to index
          %get3A_488 = arith.index_cast %mul3A_480 : i32 to index
          %get3A_489 = tpu.vector_load %arg31[%get3A_487, %get3A_488] {strides = array<i32>} : memref<16x512xf32, #tpu.memory_space<vmem>>, vector<16xf32>,
          %sub3A_490 = arith.subf %get3A_486, %get3A_489 : vector<16xf32>
          %mul3A_491 = arith.mulf %gather3A_352, %sub3A_490 : vector<16xf32>
          %get3A_492 = arith.index_cast %scan3A_347 : i32 to index
          %get3A_493 = arith.index_cast %mul3A_480 : i32 to index
          %get3A_494 = tpu.vector_load %arg29[%get3A_492, %get3A_493] {strides = array<i32>} : memref<16x512xf32, #tpu.memory_space<vmem>>, vector<16xf32>,
          %get3A_495 = arith.index_cast %scan3A_347 : i32 to index
          %get3A_496 = arith.index_cast %mul3A_480 : i32 to index
          %get3A_497 = tpu.vector_load %arg32[%get3A_495, %get3A_496] {strides = array<i32>} : memref<16x512xf32, #tpu.memory_space<vmem>>, vector<16xf32>,
          %sub3A_498 = arith.subf %get3A_494, %get3A_497 : vector<16xf32>
          %mul3A_499 = arith.mulf %gather3A_355, %sub3A_498 : vector<16xf32>
          %add3A_500 = arith.addf %mul3A_491, %mul3A_499 : vector<16xf32>
          %get3A_501 = arith.index_cast %scan3A_347 : i32 to index
          %get3A_502 = arith.index_cast %mul3A_480 : i32 to index
          %get3A_503 = tpu.vector_load %arg30[%get3A_501, %get3A_502] {strides = array<i32>} : memref<16x512xf32, #tpu.memory_space<vmem>>, vector<16xf32>,
          %get3A_504 = arith.index_cast %scan3A_347 : i32 to index
          %get3A_505 = arith.index_cast %mul3A_480 : i32 to index
          %get3A_506 = tpu.vector_load %arg33[%get3A_504, %get3A_505] {strides = array<i32>} : memref<16x512xf32, #tpu.memory_space<vmem>>, vector<16xf32>,
          %sub3A_507 = arith.subf %get3A_503, %get3A_506 : vector<16xf32>
          %mul3A_508 = arith.mulf %gather3A_358, %sub3A_507 : vector<16xf32>
          %add3A_509 = arith.addf %add3A_500, %mul3A_508 : vector<16xf32>
          %mul3A_510 = arith.mulf %get3A_483, %add3A_509 : vector<16xf32>
          %add3A_511 = arith.addf %add3A_476, %mul3A_510 : vector<16xf32>
          scf.yield %add3A_511 : vector<16xf32>
        }
        %scan3A_366 = arith.constant 32 : i32
        %reduce_sum3A = arith.constant true
        %reduce_sum3A_367 = vector.broadcast %reduce_sum3A : i1 to vector<16xi1>
        %reduce_sum3A_368 = tpu.scan <sum>, %scan3A_365 masked %reduce_sum3A_367 : vector<16xf32>, vector<16xi1> -> vector<16xf32>
        %reduce_sum3A_369 = vector.extract %reduce_sum3A_368[15] : f32 from vector<16xf32>
        %eq3A = vector.broadcast %scan3A_347 : i32 to vector<16xi32>
        %eq3A_370 = arith.cmpi eq, %iota3A, %eq3A : vector<16xi32>
        %broadcast_in_dim3A_371 = vector.broadcast %reduce_sum3A_369 : f32 to vector<16xf32>
        %select_n3A = arith.select %eq3A_370, %broadcast_in_dim3A_371, %scan3A_348 : vector<16xi1>, vector<16xf32>
        scf.yield %select_n3A : vector<16xf32>
      }
      %scan3A_344 = arith.constant 16 : i32
      %swap3A_345 = arith.index_cast %mul3A_300 : i32 to index
      %swap3A_346 = tpu.vector_load %arg34[%swap3A_345] {strides = array<i32>} : memref<512xf32, #tpu.memory_space<vmem>>, vector<16xf32>,
      tpu.vector_store %arg34[%swap3A_345], %scan3A_343 {strides = array<i32>} : memref<512xf32, #tpu.memory_space<vmem>>, vector<16xf32>,
    }
    %scan3A_67 = arith.constant 16 : i32
    "tpu.region"() ({
      %run_scoped3A = tpu.sem_alloc : memref<!tpu.dma_semaphore, #tpu.memory_space<semaphore_mem>>
      %dma_start3A_68 = tpu.memref_slice %arg10[%mul3A_2] : memref<16384xf32, #tpu.memory_space<hbm>> -> memref<512xf32, #tpu.memory_space<hbm>>
      %dma_start3A_69 = tpu.memref_slice %arg10[%mul3A_2] : memref<16384xf32, #tpu.memory_space<hbm>> -> memref<512xf32, #tpu.memory_space<hbm>>
      tpu.enqueue_dma source(%arg34 : memref<512xf32, #tpu.memory_space<vmem>>) target(%dma_start3A_69 : memref<512xf32, #tpu.memory_space<hbm>>) target_semaphore(%run_scoped3A : memref<!tpu.dma_semaphore, #tpu.memory_space<semaphore_mem>>)
      %dma_wait3A = tpu.memref_slice %arg10[%mul3A_2] : memref<16384xf32, #tpu.memory_space<hbm>> -> memref<512xf32, #tpu.memory_space<hbm>>
      %dma_wait3A_70 = tpu.memref_slice %arg10[%mul3A_2] : memref<16384xf32, #tpu.memory_space<hbm>> -> memref<512xf32, #tpu.memory_space<hbm>>
      tpu.wait_dma2 semaphore(%run_scoped3A : memref<!tpu.dma_semaphore, #tpu.memory_space<semaphore_mem>>) src(%arg34 : memref<512xf32, #tpu.memory_space<vmem>>) dst(%dma_wait3A_70 : memref<512xf32, #tpu.memory_space<hbm>>)
      tpu.yield
    }) : () -> ()
    return
  }
}

</mosaic_0001>

<sc_bundles>
// kernel: kernel.3.cloned.1.call-start
scs
__scs_entry_jumppad:
0x0: {  	(pc) =	sbr.rel $0x88, $3  }
0x1: {  	(tag) =	ssettag $0x0;
	lr =	simm.s32 $0x1  }
0x2: {  	[smem:$0x3F99] =	sst lr;
	_ =	strace $0xD0000000  }
0x3: {  	_ = 	snop  }
0x4: {  	_ = 	snop  }
0x5: {  	_ = 	snop  }
0x6: {  	_ = 	snop  }
0x7: {  	_ = 	snop  }
__scs_overlays_trampoline_lowered:
0x8: {  	[smem:$0x3FA8] =	sst s0  }
0x9: {  	[smem:$0x3FA9] =	sst s1  }
0xa: {  	[smem:$0x3FAA] =	sst s2  }
0xb: {  	[smem:$0x3FAB] =	sst s3  }
0xc: {  	[smem:$0x3FAC] =	sst s4  }
0xd: {  	[smem:$0x3FAD] =	sst s5  }
0xe: {  	[smem:$0x3FAE] =	sst s6  }
0xf: {  	[smem:$0x3FAF] =	sst s7  }
0x10: {  	[smem:$0x3FB0] =	sst s8  }
0x11: {  	[smem:$0x3FB1] =	sst s9;
	s0 =	simm.s32 @!p0 $0x0  }
0x12: {  	s1 =	sld [smem:$0x3F97];
	s0 =	simm.s32 @p0 $0x1  }
0x13: {  	[smem:$0x3FB2] =	sst s0;
	s0 =	simm.s32 @!p1 $0x0  }
0x14: {  	s2 =	sld [smem:$0x3F96];
	s0 =	simm.s32 @p1 $0x1  }
0x15: {  	[smem:$0x3FB3] =	sst s0;
	s0 =	simm.s32 @!p2 $0x0  }
0x16: {  	s3 =	sld [smem:$0x3FDB];
	s0 =	simm.s32 @p2 $0x1  }
0x17: {  	s4 =	simm.s32 $0x1BF5;
	[smem:$0x3FB5] =	sst s0  }
0x18: {  	s0 =	sld [smem:$0x3F98];
	_ =	swait.ge [sflag:s4], $0x0  }
0x19: {  	s7 =	sld [smem:$0x3F99]  }
0x1a: {  	s8 =	sadd.s32 $0xFFFFE003, lr  }
0x1b: {  	s9 =	sadd.s32 $0xFFFFFEF7, lr;
	s5 =	simm.s32 $0xFFFFFFFF;
	p2 =	slt.u32 s8, $0xFFFFF086  }
0x1c: {  	p1 =	slt.u32 s9, $0xF7A;
	s5 =	simm.s32 @!p2 $0x0  }
0x1d: {  	s5 =	simm.s32 @p1 $0x1;
	p0 =	seq.s32 s7, s2  }
0x1e: {  	s7 =	smul.u32 @!p0 $0xF7A, s2;
	p2 =	seq.s32 @!p0 s5, $0x0  }
0x1f: {  	s9 =	smul.u32 $0xF7A, s1;
	s8 =	simm.s32 @!p0 $0x1BF5;
	p2 =	por !p2, p0  }
0x20: {  	[sflag:s8] =	ssyncset.s32 @!p0 $0xFFFFF086;
	s6 =	sadd.s32 @!p0 s3, s7;
	s7 =	simm.s32 @!p0 $0x108  }
0x21: {  	s3 =	sadd.s32 s3, s9;
	s6 =	sadd.s32 @!p0 $0x88, s6;
	s7 =	simm.s32 @p2 $0x1082  }
0x22: {  	[simem:s7], [sflag:s8] =	dma.local @!p0 [hbm:s6], $0xF7A  }
0x23: {  	s9 =	sor.u32 $0xD0000000, s2;
	s6 =	simm.s32 $0x108;
	_ =	swait.ge @!p0 [sflag:s8], $0x0  }
0x24: {  	s3 =	sadd.s32 $0x88, s3;
	s6 =	simm.s32 @!p1 $0x1082;
	[sflag:s4] =	ssyncset.s32 $0xFFFFF086  }
0x25: {  	[simem:s6], [sflag:s4] =	dma.local [hbm:s3], $0xF7A  }
0x26: {  	[smem:$0x3F99] =	sst s1;
	(tag) =	ssettag s2;
	_ =	strace s9  }
0x27: {  	s1 =	sld [smem:$0x3FA9]  }
0x28: {  	s2 =	sld [smem:$0x3FAA]  }
0x29: {  	s4 =	sld [smem:$0x3FAC]  }
0x2a: {  	p0 =	seq.s32 s5, $0x0;
	s5 =	sld [smem:$0x3FAD]  }
0x2b: {  	s6 =	sld [smem:$0x3FAE]  }
0x2c: {  	s7 =	sld [smem:$0x3FAF]  }
0x2d: {  	s3 =	simm.s32 $0x108;
	s8 =	sld [smem:$0x3FB0]  }
0x2e: {  	s3 =	simm.s32 @!p0 $0x1082;
	s9 =	sld [smem:$0x3FB1]  }
0x2f: {  	lr =	sadd.s32 s0, s3;
	s0 =	sld [smem:$0x3FA8]  }
0x30: {  	s3 =	sld [smem:$0x3FAB]  }
0x31: {  	[smem:$0x3FB4] =	sst s10  }
0x32: {  	s10 =	sld [smem:$0x3FB2];
	_ =	sdelay $0x3  }
0x33: {  	p0 =	seq.s32 s10, $0x1;
	s10 =	sld [smem:$0x3FB4];
	_ =	sdelay $0x3  }
0x34: {  	[smem:$0x3FB4] =	sst s10  }
0x35: {  	s10 =	sld [smem:$0x3FB3];
	_ =	sdelay $0x3  }
0x36: {  	p1 =	seq.s32 s10, $0x1;
	s10 =	sld [smem:$0x3FB4];
	_ =	sdelay $0x3  }
0x37: {  	[smem:$0x3FB4] =	sst s10  }
0x38: {  	s10 =	sld [smem:$0x3FB5]  }
0x39: {  	_ = 	snop;
	(pc) =	sbr.ind lr, $3  }
0x3a: {  	_ = 	snop  }
0x3b: {  	_ = 	snop  }
0x3c: {  	p2 =	seq.s32 s10, $0x1;
	s10 =	sld [smem:$0x3FB4]  }
0x3d: {  	_ =	shalt  }
0x3e: {  	_ =	shalt  }
0x3f: {  	_ =	shalt  }
0x40: {  	_ =	shalt  }
0x41: {  	_ =	shalt  }
0x42: {  	_ =	shalt  }
0x43: {  	_ =	shalt  }
0x44: {  	_ =	shalt  }
0x45: {  	_ =	shalt  }
0x46: {  	_ =	shalt  }
0x47: {  	_ =	shalt  }
0x48: {  	_ =	shalt  }
0x49: {  	_ =	shalt  }
0x4a: {  	_ =	shalt  }
0x4b: {  	_ =	shalt  }
0x4c: {  	_ =	shalt  }
0x4d: {  	_ =	shalt  }
0x4e: {  	_ =	shalt  }
0x4f: {  	_ =	shalt  }
0x50: {  	_ =	shalt  }
0x51: {  	_ =	shalt  }
0x52: {  	_ =	shalt  }
0x53: {  	_ =	shalt  }
0x54: {  	_ =	shalt  }
0x55: {  	_ =	shalt  }
0x56: {  	_ =	shalt  }
0x57: {  	_ =	shalt  }
0x58: {  	_ =	shalt  }
0x59: {  	_ =	shalt  }
0x5a: {  	_ =	shalt  }
0x5b: {  	_ =	shalt  }
0x5c: {  	_ =	shalt  }
0x5d: {  	_ =	shalt  }
0x5e: {  	_ =	shalt  }
0x5f: {  	_ =	shalt  }
0x60: {  	_ =	shalt  }
0x61: {  	_ =	shalt  }
0x62: {  	_ =	shalt  }
0x63: {  	_ =	shalt  }
0x64: {  	_ =	shalt  }
0x65: {  	_ =	shalt  }
0x66: {  	_ =	shalt  }
0x67: {  	_ =	shalt  }
0x68: {  	_ =	shalt  }
0x69: {  	_ =	shalt  }
0x6a: {  	_ =	shalt  }
0x6b: {  	_ =	shalt  }
0x6c: {  	_ =	shalt  }
0x6d: {  	_ =	shalt  }
0x6e: {  	_ =	shalt  }
0x6f: {  	_ =	shalt  }
0x70: {  	_ =	shalt  }
0x71: {  	_ =	shalt  }
0x72: {  	_ =	shalt  }
0x73: {  	_ =	shalt  }
0x74: {  	_ =	shalt  }
0x75: {  	_ =	shalt  }
0x76: {  	_ =	shalt  }
0x77: {  	_ =	shalt  }
0x78: {  	_ =	shalt  }
0x79: {  	_ =	shalt  }
0x7a: {  	_ =	shalt  }
0x7b: {  	_ =	shalt  }
0x7c: {  	_ =	shalt  }
0x7d: {  	_ =	shalt  }
0x7e: {  	_ =	shalt  }
0x7f: {  	_ =	shalt  }
0x80: {  	_ =	shalt  }
0x81: {  	_ =	shalt  }
0x82: {  	_ =	shalt  }
0x83: {  	_ =	shalt  }
0x84: {  	_ =	shalt  }
0x85: {  	_ =	shalt  }
0x86: {  	_ =	shalt  }
0x87: {  	_ =	shalt  }
.Lfunc_end0:
.L_simem_size_0:
called_computation_lowered:
.L_overlay_start_0:
0x88: {  	s2 =	sld [smem:$0x3FD9]  }
0x89: {  	s3 =	sld [smem:$0x3FFE];
	_ =	sdelay $0x1  }
0x8a: {  	s1 =	srdreg.scid  }
0x8b: {  	s0 =	sand.u32 $0x1, s1  }
0x8c: {  	s17 =	sshll.u32 s0, $0xA;
	s2 =	sadd.s32 s3, s2  }
0x8d: {  	s2 =	sadd.s32 s2, s17  }
0x8e: {  	[smem:$0x3FC0] =	sst s2  }
0x8f: {  	_ = 	snop  }
0x90: {  	s2 =	sld [smem:$0x3FC9]  }
0x91: {  	s18 =	sld [smem:$0x3FC8]  }
0x92: {  	s4 =	sld [smem:$0x3FC7]  }
0x93: {  	s5 =	sld [smem:$0x3FC6]  }
0x94: {  	s6 =	sld [smem:$0x3FC4]  }
0x95: {  	s7 =	sld [smem:$0x3FC3]  }
0x96: {  	s8 =	sld [smem:$0x3FC2]  }
0x97: {  	s9 =	sld [smem:$0x3FD0];
	(tm) =	ssettm $0x1  }
0x98: {  	s10 =	sld [smem:$0x3FFB];
	_ =	sdelay $0x3  }
0x99: {  	_ =	strace s10  }
0x9a: {  	s10 =	sld [smem:$0x3FFC];
	_ =	sdelay $0x3  }
0x9b: {  	_ =	strace s10  }
0x9c: {  	s10 =	sld [smem:$0x3FFD];
	_ =	sdelay $0x3  }
0x9d: {  	_ =	strace s10  }
0x9e: {  	_ =	strace $0x8FFFFFFF  }
0x9f: {  	s19 =	sld [smem:$0x3FDB];
	_ =	sdelay $0x1  }
0xa0: {  	s11 =	simm.s32 $_scs_section_size  }
0xa1: {  	s12 =	simm.s32 $_size__tile_overlayer_lowered;
	s13 =	simm.s32 $_tile_overlayer_lowered  }
0xa2: {  	s22 =	simm.s32 $0x1BFF;
	s21 =	sshll.u32 s13, $0x1;
	s10 =	sadd.s32 s11, s19  }
0xa3: {  	s14 =	simm.s32 $0x0;
	s20 =	sshll.u32 s12, $0x1;
	s12 =	sadd.s32 s21, s10  }
0xa4: {  	[timem:s14], [sflag:s22] =	dma.local [hbm:s12], s20  }
0xa5: {  	_ =	swait.ge [sflag:s22], s20  }
0xa6: {  	s11 =	ssub.s32 $0x0, s20;
	[sflag:s22] =	ssyncset.done $0x0  }
0xa7: {  	[sflag:s22] =	ssyncadd.s32 s11;
	_ =	sdelay $0x1  }
0xa8: {  	s23 =	simm.s32 $0x1B8B  }
0xa9: {  	_ =	swait.ge [sflag:s23], $0x1  }
0xaa: {  	[sflag:s23] =	ssyncset.done $0x0  }
0xab: {  	s25 =	simm.s32 $0x1B8E;
	s24 =	sld [smem:$0x3FFE];
	[sflag:s23] =	ssyncadd.s32 $0xFFFFFFFF  }
0xac: {  	s26 =	simm.s32 $execute0_lowered;
	[smem:$0x3FD2] =	sst s25  }
0xad: {  	s12 =	sshll.u32 s26, $0x1;
	_ =	strace $0x80000046;
	[dreg:$0x1] =	wrdreg $0xFFFFFFFF  }
0xae: {  	s28 =	simm.s32 $_size_execute0_lowered;
	s10 =	sadd.s32 s10, s12;
	[dreg:$0x0] =	wrdreg $0x0  }
0xaf: {  	s12 =	sshll.u32 s28, $0x1;
	[dreg:$0x2] =	wrdreg s10  }
0xb0: {  	[dreg:$0x3] =	wrdreg s12  }
0xb1: {  	[dreg:$0x4] =	wrdreg $0xC0  }
0xb2: {  	_ =	task [dreg:s14], $0x5FFFF  }
0xb3: {  	[dreg:$0x1] =	wrdreg $0xFFFFFFFF  }
0xb4: {  	[dreg:$0x0] =	wrdreg $0x60  }
0xb5: {  	[dreg:$0x2] =	wrdreg s2  }
0xb6: {  	[dreg:$0x3] =	wrdreg s18  }
0xb7: {  	[dreg:$0x4] =	wrdreg s4  }
0xb8: {  	[dreg:$0x5] =	wrdreg s5  }
0xb9: {  	[dreg:$0x6] =	wrdreg s24  }
0xba: {  	[dreg:$0x7] =	wrdreg s6  }
0xbb: {  	[dreg:$0x8] =	wrdreg s7  }
0xbc: {  	[dreg:$0x9] =	wrdreg s8  }
0xbd: {  	[dreg:$0xa] =	wrdreg s9  }
0xbe: {  	[dreg:$0xb] =	wrdreg $0x9  }
0xbf: {  	_ =	task.clear_ibuf [dreg:s14], $0xCFFFF;
	_ =	strace $0x90000046  }
0xc0: {  	s29 =	simm.s32 $0x9;
	_ =	strace $0x80000048  }
0xc1: {  	_ =	swait.ge [sflag:s29], $0x1  }
0xc2: {  	[sflag:s29] =	ssyncadd.s32 $0xFFFFFFFF  }
0xc3: {  	_ =	strace $0x90000048  }
0xc4: {  	_ =	sfence  }
0xc5: {  	s30 =	sld [smem:$0x0];
	_ =	sdelay $0x2  }
0xc6: {  	s31 =	sshll.u32 s1, $0xD;
	s1 =	sshrl.u32 s1, $0x2  }
0xc7: {  	s3 =	sand.u32 $0x4000, s31;
	s1 =	sadd.s32 s1, s30  }
0xc8: {  	s0 =	sor.u32 s3, s0;
	s1 =	sshll.u32 s1, $0x11  }
0xc9: {  	s0 =	sor.u32 s1, s0  }
0xca: {  	s0 =	sadd.s32 $0x8F2B, s0  }
0xcb: {  	[sflag:s0] =	ssyncadd.remote.s32 $0x1  }
0xcc: {  	_ =	sfence.sel $0xFFFF  }
0xcd: {  	[dreg:$0x0] =	wrdreg $0xFFFFFFFF;
	(pc) =	sbr.abs _section_cstart, $3  }
0xce: {  	[dreg:$0x1] =	wrdreg $0xFFFFFFFF  }
0xcf: {  	_ =	task.clear_ibuf [dreg:s14], $0x2FFFF;
	_ =	strace $0x9FFFFFFF  }
0xd0: {  	(tm) =	ssettm $0x7FFFFFFF  }
0xd1: {  	_ =	shalt  }
tec
execute0_lowered:
.L_overlay_start_1:
0x0: {  	(tag) =	ssettag $0x1  }
0x1: {  	s0 =	rddreg [dreg:$0x0]  }
0x2: {  	s6 =	rddreg [dreg:$0x1]  }
0x3: {  	s8 =	rddreg [dreg:$0x2]  }
0x4: {  	s1 =	rddreg [dreg:$0x3]  }
0x5: {  	s7 =	rddreg [dreg:$0x4]  }
0x6: {  	s2 =	rddreg [dreg:$0x5]  }
0x7: {  	s3 =	rddreg [dreg:$0x6]  }
0x8: {  	s4 =	rddreg [dreg:$0x7]  }
0x9: {  	s9 =	rddreg [dreg:$0x8]  }
0xa: {  	s5 =	simm.s32 $0x0;
	s10 =	srdreg.scid;
	s13 =	stileid.u32  }
0xb: {  	s28 =	simm.s32 $0x2600;
	s29 =	simm.s32 $0x2E00;
	s30 =	simm.s32 $0x3600  }
0xc: {  	s16 =	simm.s32 $0x1EE00;
	s17 =	simm.s32 $0x11E00;
	s20 =	simm.s32 $0x12600  }
0xd: {  	s21 =	simm.s32 $0x12E00;
	s22 =	simm.s32 $0x1;
	s31 =	simm.s32 $0x0  }
0xe: {  	[smem:$0x7FF] =	sst s5;
	s10 =	sand.u32 $0x1, s10;
	s13 =	sshll.u32 s13, $0x7  }
0xf: {  	s7 =	sadd.s32 $0x400, s7;
	s11 =	ssub.s32 $0x2, s10;
	s10 =	sshll.u32 s10, $0x6  }
0x10: {  	s14 =	sadd.s32 $0x100, s4;
	_ =	strace $0x80000047;
	s10 =	sor.u32 s10, s13  }
0x11: {  	s12 =	sshrl.u32 s11, $0x1;
	s13 =	sadd.s32 $0x100, s3;
	s0 =	sadd.s32 s0, s10  }
0x12: {  	s15 =	ssub.s32 s11, s12;
	s23 =	sadd.s32 s6, s10;
	[dreg:$0xa] =	wrdreg s0  }
0x13: {  	v0 =	vlaneseq.u32;
	s24 =	sadd.s32 s8, s10;
	s11 =	sadd.s32 $0x100, s1;
	[dreg:$0xb] =	wrdreg s23  }
0x14: {  	v1 =	vmul.u32 $0x80, v0;
	s12 =	sadd.s32 $0x100, s2;
	s25 =	sadd.s32 s9, s10;
	[dreg:$0xc] =	wrdreg s24  }
0x15: {  	vm0 =	vmmov $0xffff;
	v3 =	vshrl.u32 v0, $0x3;
	v2 =	vand.u32 $0x7, v0;
	s6 =	simm.s32 $0x3;
	[dreg:$0xd] =	wrdreg s25;
	s26 =	smax.u32 s15, $0x1  }
0x16: {  	v4 =	vor.u32 $0x8, v0;
	v3 =	vmul.u32 $0x8, v3;
	v5 =	vor.u32 $0x40, v1;
	s8 =	simm.s32 $0x0;
	s23 =	simm.s32 $0x2;
	[dreg:$0xe] =	wrdreg s26  }
.LBB2_1:
0x17: {  	[dreg:$0xf] =	wrdreg s8  }
0x18: {  	s0 =	rddreg [dreg:$0xa]  }
0x19: {  	[tilespmem:s5], [sflag:$0x3] =	stream.linear.gather [hbm4b:s0+s5], $0x200, $0x38;
	[tilespmem:$0x1F800] =	vst v63  }
0x1a: {  	_ =	swait.ge [sflag:s6], $0x200  }
0x1b: {  	[sflag:s6] =	ssyncset.done $0x0  }
0x1c: {  	s24 =	simm.s32 $0x200;
	s19 =	rddreg [dreg:$0xb];
	[sflag:s6] =	ssyncadd.s32 $0xFFFFFE00  }
0x1d: {  	[tilespmem:s24], [sflag:$0x3] =	stream.linear.gather [hbm4b:s19+s5], $0x200, $0x38;
	[tilespmem:$0x1F800] =	vst v63  }
0x1e: {  	_ =	swait.ge [sflag:s6], $0x200  }
0x1f: {  	[sflag:s6] =	ssyncset.done $0x0  }
0x20: {  	s26 =	simm.s32 $0x400;
	s25 =	rddreg [dreg:$0xc];
	[sflag:s6] =	ssyncadd.s32 $0xFFFFFE00  }
0x21: {  	[tilespmem:s26], [sflag:$0x3] =	stream.linear.gather [hbm4b:s25+s5], $0x200, $0x38;
	[tilespmem:$0x1F800] =	vst v63  }
0x22: {  	_ =	swait.ge [sflag:s6], $0x200  }
0x23: {  	[sflag:s6] =	ssyncset.done $0x0  }
0x24: {  	[sflag:s6] =	ssyncadd.s32 $0xFFFFFE00  }
0x25: {  	v6 =	vld [tilespmem:$0x0];
	_ =	sdelay $0x4  }
0x26: {  	v7 =	vshll.u32 v6, $0x2  }
0x27: {  	v8 =	vand.u32 $0x7, v6;
	v7 =	vand.u32 $0xFFFFFFE0, v7  }
0x28: {  	v7 =	vor.u32 v8, v7  }
0x29: {  	v8 =	vperm.xlane v7, v2;
	_ =	sdelay $0x1  }
0x2a: {  	v8 =	vadd.s32 v3, v8;
	_ =	sdelay $0x1  }
0x2b: {  	v7 =	vperm.xlane v7, v4;
	_ =	sdelay $0x1  }
0x2c: {  	s9 =	simm.s32 $0x600;
	v7 =	vadd.s32 v3, v7  }
0x2d: {  	[tilespmem:s9], [sflag:$0x1] =	stream.indirect_vreg.gather [hbm4b:s1+s5], $0x80, v8, vm0, $0xb8;
	[tilespmem:$0x1F800] =	vst v63  }
0x2e: {  	s10 =	simm.s32 $0xE00  }
0x2f: {  	[tilespmem:s10], [sflag:$0x1] =	stream.indirect_vreg.gather [hbm4b:s11+s5], $0x80, v8, vm0, $0xb8;
	[tilespmem:$0x1F800] =	vst v63  }
0x30: {  	s15 =	simm.s32 $0x1600  }
0x31: {  	[tilespmem:s15], [sflag:$0x1] =	stream.indirect_vreg.gather [hbm4b:s1+s5], $0x80, v7, vm0, $0xb8;
	[tilespmem:$0x1F800] =	vst v63  }
0x32: {  	s18 =	simm.s32 $0x1E00  }
0x33: {  	[tilespmem:s18], [sflag:$0x1] =	stream.indirect_vreg.gather [hbm4b:s11+s5], $0x80, v7, vm0, $0xb8;
	[tilespmem:$0x1F800] =	vst v63  }
0x34: {  	v7 =	vld [tilespmem:$0x200];
	_ =	sdelay $0x4  }
0x35: {  	v57 =	vshll.u32 v7, $0x2  }
0x36: {  	v7 =	vand.u32 $0x7, v7;
	v8 =	vand.u32 $0xFFFFFFE0, v57  }
0x37: {  	v7 =	vor.u32 v7, v8  }
0x38: {  	v8 =	vperm.xlane v7, v2;
	_ =	sdelay $0x1  }
0x39: {  	v8 =	vadd.s32 v3, v8;
	_ =	sdelay $0x1  }
0x3a: {  	v7 =	vperm.xlane v7, v4;
	_ =	sdelay $0x1  }
0x3b: {  	s19 =	simm.s32 $0x3E00;
	v7 =	vadd.s32 v3, v7  }
0x3c: {  	[tilespmem:s19], [sflag:$0x1] =	stream.indirect_vreg.gather [hbm4b:s2+s5], $0x80, v8, vm0, $0xb8;
	[tilespmem:$0x1F800] =	vst v63  }
0x3d: {  	s24 =	simm.s32 $0x4600  }
0x3e: {  	[tilespmem:s24], [sflag:$0x1] =	stream.indirect_vreg.gather [hbm4b:s12+s5], $0x80, v8, vm0, $0xb8;
	[tilespmem:$0x1F800] =	vst v63  }
0x3f: {  	s25 =	simm.s32 $0x4E00  }
0x40: {  	[tilespmem:s25], [sflag:$0x1] =	stream.indirect_vreg.gather [hbm4b:s2+s5], $0x80, v7, vm0, $0xb8;
	[tilespmem:$0x1F800] =	vst v63  }
0x41: {  	s26 =	simm.s32 $0x5600  }
0x42: {  	[tilespmem:s26], [sflag:$0x1] =	stream.indirect_vreg.gather [hbm4b:s12+s5], $0x80, v7, vm0, $0xb8;
	[tilespmem:$0x1F800] =	vst v63  }
0x43: {  	v7 =	vld [tilespmem:$0x200];
	_ =	sdelay $0x4  }
0x44: {  	v58 =	vshll.u32 v7, $0x2  }
0x45: {  	v7 =	vand.u32 $0x7, v7;
	v8 =	vand.u32 $0xFFFFFFE0, v58  }
0x46: {  	v7 =	vor.u32 v7, v8  }
0x47: {  	v8 =	vperm.xlane v7, v2;
	_ =	sdelay $0x1  }
0x48: {  	v8 =	vadd.s32 v3, v8;
	_ =	sdelay $0x1  }
0x49: {  	v7 =	vperm.xlane v7, v4;
	_ =	sdelay $0x1  }
0x4a: {  	s6 =	simm.s32 $0x5E00;
	v7 =	vadd.s32 v3, v7  }
0x4b: {  	[tilespmem:s6], [sflag:$0x1] =	stream.indirect_vreg.gather [hbm4b:s3+s5], $0x80, v8, vm0, $0xb8;
	[tilespmem:$0x1F800] =	vst v63  }
0x4c: {  	s8 =	simm.s32 $0x6600  }
0x4d: {  	[tilespmem:s8], [sflag:$0x1] =	stream.indirect_vreg.gather [hbm4b:s13+s5], $0x80, v8, vm0, $0xb8;
	[tilespmem:$0x1F800] =	vst v63  }
0x4e: {  	s9 =	simm.s32 $0x6E00  }
0x4f: {  	[tilespmem:s9], [sflag:$0x1] =	stream.indirect_vreg.gather [hbm4b:s3+s5], $0x80, v7, vm0, $0xb8;
	[tilespmem:$0x1F800] =	vst v63  }
0x50: {  	s10 =	simm.s32 $0x7600  }
0x51: {  	[tilespmem:s10], [sflag:$0x1] =	stream.indirect_vreg.gather [hbm4b:s13+s5], $0x80, v7, vm0, $0xb8;
	[tilespmem:$0x1F800] =	vst v63  }
0x52: {  	v7 =	vld [tilespmem:$0x200];
	_ =	sdelay $0x4  }
0x53: {  	v59 =	vshll.u32 v7, $0x2  }
0x54: {  	v7 =	vand.u32 $0x7, v7;
	v8 =	vand.u32 $0xFFFFFFE0, v59  }
0x55: {  	v7 =	vor.u32 v7, v8  }
0x56: {  	v8 =	vperm.xlane v7, v2;
	_ =	sdelay $0x1  }
0x57: {  	v8 =	vadd.s32 v3, v8;
	_ =	sdelay $0x1  }
0x58: {  	v7 =	vperm.xlane v7, v4;
	_ =	sdelay $0x1  }
0x59: {  	s15 =	simm.s32 $0x7E00;
	v7 =	vadd.s32 v3, v7  }
0x5a: {  	[tilespmem:s15], [sflag:$0x1] =	stream.indirect_vreg.gather [hbm4b:s4+s5], $0x80, v8, vm0, $0xb8;
	[tilespmem:$0x1F800] =	vst v63  }
0x5b: {  	s18 =	simm.s32 $0x8600  }
0x5c: {  	[tilespmem:s18], [sflag:$0x1] =	stream.indirect_vreg.gather [hbm4b:s14+s5], $0x80, v8, vm0, $0xb8;
	[tilespmem:$0x1F800] =	vst v63  }
0x5d: {  	s19 =	simm.s32 $0x8E00  }
0x5e: {  	[tilespmem:s19], [sflag:$0x1] =	stream.indirect_vreg.gather [hbm4b:s4+s5], $0x80, v7, vm0, $0xb8;
	[tilespmem:$0x1F800] =	vst v63  }
0x5f: {  	s24 =	simm.s32 $0x9600  }
0x60: {  	[tilespmem:s24], [sflag:$0x1] =	stream.indirect_vreg.gather [hbm4b:s14+s5], $0x80, v7, vm0, $0xb8;
	[tilespmem:$0x1F800] =	vst v63  }
0x61: {  	v7 =	vld [tilespmem:$0x400];
	_ =	sdelay $0x4  }
0x62: {  	v60 =	vshll.u32 v7, $0x2  }
0x63: {  	v7 =	vand.u32 $0x7, v7;
	v8 =	vand.u32 $0xFFFFFFE0, v60  }
0x64: {  	v7 =	vor.u32 v7, v8  }
0x65: {  	v8 =	vperm.xlane v7, v2;
	_ =	sdelay $0x1  }
0x66: {  	v8 =	vadd.s32 v3, v8;
	_ =	sdelay $0x1  }
0x67: {  	v7 =	vperm.xlane v7, v4;
	_ =	sdelay $0x1  }
0x68: {  	s25 =	simm.s32 $0x9E00;
	v7 =	vadd.s32 v3, v7  }
0x69: {  	[tilespmem:s25], [sflag:$0x1] =	stream.indirect_vreg.gather [hbm4b:s2+s5], $0x80, v8, vm0, $0xb8;
	[tilespmem:$0x1F800] =	vst v63  }
0x6a: {  	s26 =	simm.s32 $0xA600  }
0x6b: {  	[tilespmem:s26], [sflag:$0x1] =	stream.indirect_vreg.gather [hbm4b:s12+s5], $0x80, v8, vm0, $0xb8;
	[tilespmem:$0x1F800] =	vst v63  }
0x6c: {  	s6 =	simm.s32 $0xAE00  }
0x6d: {  	[tilespmem:s6], [sflag:$0x1] =	stream.indirect_vreg.gather [hbm4b:s2+s5], $0x80, v7, vm0, $0xb8;
	[tilespmem:$0x1F800] =	vst v63  }
0x6e: {  	s8 =	simm.s32 $0xB600  }
0x6f: {  	[tilespmem:s8], [sflag:$0x1] =	stream.indirect_vreg.gather [hbm4b:s12+s5], $0x80, v7, vm0, $0xb8;
	[tilespmem:$0x1F800] =	vst v63  }
0x70: {  	v7 =	vld [tilespmem:$0x400];
	_ =	sdelay $0x4  }
0x71: {  	v61 =	vshll.u32 v7, $0x2  }
0x72: {  	v7 =	vand.u32 $0x7, v7;
	v8 =	vand.u32 $0xFFFFFFE0, v61  }
0x73: {  	v7 =	vor.u32 v7, v8  }
0x74: {  	v8 =	vperm.xlane v7, v2;
	_ =	sdelay $0x1  }
0x75: {  	v8 =	vadd.s32 v3, v8;
	_ =	sdelay $0x1  }
0x76: {  	v7 =	vperm.xlane v7, v4;
	_ =	sdelay $0x1  }
0x77: {  	s9 =	simm.s32 $0xBE00;
	v7 =	vadd.s32 v3, v7  }
0x78: {  	[tilespmem:s9], [sflag:$0x1] =	stream.indirect_vreg.gather [hbm4b:s3+s5], $0x80, v8, vm0, $0xb8;
	[tilespmem:$0x1F800] =	vst v63  }
0x79: {  	s10 =	simm.s32 $0xC600  }
0x7a: {  	[tilespmem:s10], [sflag:$0x1] =	stream.indirect_vreg.gather [hbm4b:s13+s5], $0x80, v8, vm0, $0xb8;
	[tilespmem:$0x1F800] =	vst v63  }
0x7b: {  	s15 =	simm.s32 $0xCE00  }
0x7c: {  	[tilespmem:s15], [sflag:$0x1] =	stream.indirect_vreg.gather [hbm4b:s3+s5], $0x80, v7, vm0, $0xb8;
	[tilespmem:$0x1F800] =	vst v63  }
0x7d: {  	s18 =	simm.s32 $0xD600  }
0x7e: {  	[tilespmem:s18], [sflag:$0x1] =	stream.indirect_vreg.gather [hbm4b:s13+s5], $0x80, v7, vm0, $0xb8;
	[tilespmem:$0x1F800] =	vst v63  }
0x7f: {  	v7 =	vld [tilespmem:$0x400];
	_ =	sdelay $0x4  }
0x80: {  	v62 =	vshll.u32 v7, $0x2  }
0x81: {  	v7 =	vand.u32 $0x7, v7;
	v8 =	vand.u32 $0xFFFFFFE0, v62  }
0x82: {  	v7 =	vor.u32 v7, v8  }
0x83: {  	v8 =	vperm.xlane v7, v2;
	_ =	sdelay $0x1  }
0x84: {  	v8 =	vadd.s32 v3, v8;
	_ =	sdelay $0x1  }
0x85: {  	v7 =	vperm.xlane v7, v4;
	_ =	sdelay $0x1  }
0x86: {  	s19 =	simm.s32 $0xDE00;
	v7 =	vadd.s32 v3, v7  }
0x87: {  	[tilespmem:s19], [sflag:$0x1] =	stream.indirect_vreg.gather [hbm4b:s4+s5], $0x80, v8, vm0, $0xb8;
	[tilespmem:$0x1F800] =	vst v63  }
0x88: {  	s24 =	simm.s32 $0xE600  }
0x89: {  	[tilespmem:s24], [sflag:$0x1] =	stream.indirect_vreg.gather [hbm4b:s14+s5], $0x80, v8, vm0, $0xb8;
	[tilespmem:$0x1F800] =	vst v63  }
0x8a: {  	v63 =	vshrl.u32 v6, $0x7;
	s25 =	simm.s32 $0xEE00  }
0x8b: {  	v9 =	vadd.s32 $0x186A0, v6;
	[tilespmem:s25], [sflag:$0x1] =	stream.indirect_vreg.gather [hbm4b:s4+s5], $0x80, v7, vm0, $0xb8;
	[tilespmem:$0x1F800] =	vst v63  }
0x8c: {  	v9 =	vshrl.u32 v9, $0x7;
	s26 =	simm.s32 $0xF600  }
0x8d: {  	v6 =	vadd.s32 $0x30D40, v6;
	[tilespmem:s26], [sflag:$0x1] =	stream.indirect_vreg.gather [hbm4b:s14+s5], $0x80, v7, vm0, $0xb8;
	[tilespmem:$0x1F800] =	vst v63  }
0x8e: {  	v6 =	vshrl.u32 v6, $0x7  }
0x8f: {  	[tilespmem:s28], [sflag:$0x1] =	stream.indirect_vreg.gather [hbm4b:s7+s5], $0x80, v63, vm0, $0xb8;
	[tilespmem:$0x1F800] =	vst v63  }
0x90: {  	_ = 	snop  }
0x91: {  	[tilespmem:s29], [sflag:$0x1] =	stream.indirect_vreg.gather [hbm4b:s7+s5], $0x80, v9, vm0, $0xb8;
	[tilespmem:$0x1F800] =	vst v63  }
0x92: {  	s24 =	simm.s32 $0x0  }
0x93: {  	[tilespmem:s30], [sflag:$0x1] =	stream.indirect_vreg.gather [hbm4b:s7+s5], $0x80, v6, vm0, $0xb8;
	[tilespmem:$0x1F800] =	vst v63  }
.LBB2_2:
0x94: {  	s26 =	sshll.u32 s24, $0x5  }
0x95: {  	v6 =	vld [tilespmem:s26+$0x10];
	_ =	sdelay $0x4  }
0x96: {  	v7 =	vshll.u32 v6, $0x2  }
0x97: {  	v8 =	vand.u32 $0x7, v6;
	v7 =	vand.u32 $0xFFFFFFE0, v7  }
0x98: {  	v7 =	vor.u32 v8, v7  }
0x99: {  	v8 =	vperm.xlane v7, v2;
	_ =	sdelay $0x1  }
0x9a: {  	v8 =	vadd.s32 v3, v8;
	_ =	sdelay $0x1  }
0x9b: {  	v7 =	vperm.xlane v7, v4;
	_ =	sdelay $0x1  }
0x9c: {  	s0 =	simm.s32 $0xFE00;
	v7 =	vadd.s32 v3, v7  }
0x9d: {  	[tilespmem:s0], [sflag:$0x2] =	stream.indirect_vreg.gather [hbm4b:s1+s31], $0x80, v8, vm0, $0xb8;
	[tilespmem:$0x1F800] =	vst v63  }
0x9e: {  	s19 =	simm.s32 $0x10600  }
0x9f: {  	[tilespmem:s19], [sflag:$0x2] =	stream.indirect_vreg.gather [hbm4b:s11+s31], $0x80, v8, vm0, $0xb8;
	[tilespmem:$0x1F800] =	vst v63  }
0xa0: {  	s25 =	simm.s32 $0x10E00  }
0xa1: {  	[tilespmem:s25], [sflag:$0x2] =	stream.indirect_vreg.gather [hbm4b:s1+s31], $0x80, v7, vm0, $0xb8;
	[tilespmem:$0x1F800] =	vst v63  }
0xa2: {  	s6 =	simm.s32 $0x11600  }
0xa3: {  	[tilespmem:s6], [sflag:$0x2] =	stream.indirect_vreg.gather [hbm4b:s11+s31], $0x80, v7, vm0, $0xb8;
	[tilespmem:$0x1F800] =	vst v63  }
0xa4: {  	v7 =	vld [tilespmem:s26+$0x210];
	_ =	sdelay $0x4  }
0xa5: {  	v8 =	vshll.u32 v7, $0x2  }
0xa6: {  	v7 =	vand.u32 $0x7, v7;
	v8 =	vand.u32 $0xFFFFFFE0, v8  }
0xa7: {  	v7 =	vor.u32 v7, v8  }
0xa8: {  	v8 =	vperm.xlane v7, v2;
	_ =	sdelay $0x1  }
0xa9: {  	v8 =	vadd.s32 v3, v8;
	_ =	sdelay $0x1  }
0xaa: {  	v7 =	vperm.xlane v7, v4;
	_ =	sdelay $0x1  }
0xab: {  	s8 =	simm.s32 $0x13600;
	v7 =	vadd.s32 v3, v7  }
0xac: {  	[tilespmem:s8], [sflag:$0x2] =	stream.indirect_vreg.gather [hbm4b:s2+s31], $0x80, v8, vm0, $0xb8;
	[tilespmem:$0x1F800] =	vst v63  }
0xad: {  	s9 =	simm.s32 $0x13E00  }
0xae: {  	[tilespmem:s9], [sflag:$0x2] =	stream.indirect_vreg.gather [hbm4b:s12+s31], $0x80, v8, vm0, $0xb8;
	[tilespmem:$0x1F800] =	vst v63  }
0xaf: {  	s10 =	simm.s32 $0x14600  }
0xb0: {  	[tilespmem:s10], [sflag:$0x2] =	stream.indirect_vreg.gather [hbm4b:s2+s31], $0x80, v7, vm0, $0xb8;
	[tilespmem:$0x1F800] =	vst v63  }
0xb1: {  	s15 =	simm.s32 $0x14E00  }
0xb2: {  	[tilespmem:s15], [sflag:$0x2] =	stream.indirect_vreg.gather [hbm4b:s12+s31], $0x80, v7, vm0, $0xb8;
	[tilespmem:$0x1F800] =	vst v63  }
0xb3: {  	v7 =	vld [tilespmem:s26+$0x210];
	_ =	sdelay $0x4  }
0xb4: {  	v8 =	vshll.u32 v7, $0x2  }
0xb5: {  	v7 =	vand.u32 $0x7, v7;
	v8 =	vand.u32 $0xFFFFFFE0, v8  }
0xb6: {  	v7 =	vor.u32 v7, v8  }
0xb7: {  	v8 =	vperm.xlane v7, v2;
	_ =	sdelay $0x1  }
0xb8: {  	v8 =	vadd.s32 v3, v8;
	_ =	sdelay $0x1  }
0xb9: {  	v7 =	vperm.xlane v7, v4;
	_ =	sdelay $0x1  }
0xba: {  	s18 =	simm.s32 $0x15600;
	v7 =	vadd.s32 v3, v7  }
0xbb: {  	[tilespmem:s18], [sflag:$0x2] =	stream.indirect_vreg.gather [hbm4b:s3+s31], $0x80, v8, vm0, $0xb8;
	[tilespmem:$0x1F800] =	vst v63  }
0xbc: {  	s19 =	simm.s32 $0x15E00  }
0xbd: {  	[tilespmem:s19], [sflag:$0x2] =	stream.indirect_vreg.gather [hbm4b:s13+s31], $0x80, v8, vm0, $0xb8;
	[tilespmem:$0x1F800] =	vst v63  }
0xbe: {  	s25 =	simm.s32 $0x16600  }
0xbf: {  	[tilespmem:s25], [sflag:$0x2] =	stream.indirect_vreg.gather [hbm4b:s3+s31], $0x80, v7, vm0, $0xb8;
	[tilespmem:$0x1F800] =	vst v63  }
0xc0: {  	s6 =	simm.s32 $0x16E00  }
0xc1: {  	[tilespmem:s6], [sflag:$0x2] =	stream.indirect_vreg.gather [hbm4b:s13+s31], $0x80, v7, vm0, $0xb8;
	[tilespmem:$0x1F800] =	vst v63  }
0xc2: {  	v7 =	vld [tilespmem:s26+$0x210];
	_ =	sdelay $0x4  }
0xc3: {  	v8 =	vshll.u32 v7, $0x2  }
0xc4: {  	v7 =	vand.u32 $0x7, v7;
	v8 =	vand.u32 $0xFFFFFFE0, v8  }
0xc5: {  	v7 =	vor.u32 v7, v8  }
0xc6: {  	v8 =	vperm.xlane v7, v2;
	_ =	sdelay $0x1  }
0xc7: {  	v8 =	vadd.s32 v3, v8;
	_ =	sdelay $0x1  }
0xc8: {  	v7 =	vperm.xlane v7, v4;
	_ =	sdelay $0x1  }
0xc9: {  	s8 =	simm.s32 $0x17600;
	v7 =	vadd.s32 v3, v7  }
0xca: {  	[tilespmem:s8], [sflag:$0x2] =	stream.indirect_vreg.gather [hbm4b:s4+s31], $0x80, v8, vm0, $0xb8;
	[tilespmem:$0x1F800] =	vst v63  }
0xcb: {  	s9 =	simm.s32 $0x17E00  }
0xcc: {  	[tilespmem:s9], [sflag:$0x2] =	stream.indirect_vreg.gather [hbm4b:s14+s31], $0x80, v8, vm0, $0xb8;
	[tilespmem:$0x1F800] =	vst v63  }
0xcd: {  	s10 =	simm.s32 $0x18600  }
0xce: {  	[tilespmem:s10], [sflag:$0x2] =	stream.indirect_vreg.gather [hbm4b:s4+s31], $0x80, v7, vm0, $0xb8;
	[tilespmem:$0x1F800] =	vst v63  }
0xcf: {  	s15 =	simm.s32 $0x18E00  }
0xd0: {  	[tilespmem:s15], [sflag:$0x2] =	stream.indirect_vreg.gather [hbm4b:s14+s31], $0x80, v7, vm0, $0xb8;
	[tilespmem:$0x1F800] =	vst v63  }
0xd1: {  	v7 =	vld [tilespmem:s26+$0x410];
	_ =	sdelay $0x4  }
0xd2: {  	v8 =	vshll.u32 v7, $0x2  }
0xd3: {  	v7 =	vand.u32 $0x7, v7;
	v8 =	vand.u32 $0xFFFFFFE0, v8  }
0xd4: {  	v7 =	vor.u32 v7, v8  }
0xd5: {  	v8 =	vperm.xlane v7, v2;
	_ =	sdelay $0x1  }
0xd6: {  	v8 =	vadd.s32 v3, v8;
	_ =	sdelay $0x1  }
0xd7: {  	v7 =	vperm.xlane v7, v4;
	_ =	sdelay $0x1  }
0xd8: {  	s18 =	simm.s32 $0x19600;
	v7 =	vadd.s32 v3, v7  }
0xd9: {  	[tilespmem:s18], [sflag:$0x2] =	stream.indirect_vreg.gather [hbm4b:s2+s31], $0x80, v8, vm0, $0xb8;
	[tilespmem:$0x1F800] =	vst v63  }
0xda: {  	s19 =	simm.s32 $0x19E00  }
0xdb: {  	[tilespmem:s19], [sflag:$0x2] =	stream.indirect_vreg.gather [hbm4b:s12+s31], $0x80, v8, vm0, $0xb8;
	[tilespmem:$0x1F800] =	vst v63  }
0xdc: {  	s25 =	simm.s32 $0x1A600  }
0xdd: {  	[tilespmem:s25], [sflag:$0x2] =	stream.indirect_vreg.gather [hbm4b:s2+s31], $0x80, v7, vm0, $0xb8;
	[tilespmem:$0x1F800] =	vst v63  }
0xde: {  	s6 =	simm.s32 $0x1AE00  }
0xdf: {  	[tilespmem:s6], [sflag:$0x2] =	stream.indirect_vreg.gather [hbm4b:s12+s31], $0x80, v7, vm0, $0xb8;
	[tilespmem:$0x1F800] =	vst v63  }
0xe0: {  	v7 =	vld [tilespmem:s26+$0x410];
	_ =	sdelay $0x4  }
0xe1: {  	v8 =	vshll.u32 v7, $0x2  }
0xe2: {  	v7 =	vand.u32 $0x7, v7;
	v8 =	vand.u32 $0xFFFFFFE0, v8  }
0xe3: {  	v7 =	vor.u32 v7, v8  }
0xe4: {  	v8 =	vperm.xlane v7, v2;
	_ =	sdelay $0x1  }
0xe5: {  	v8 =	vadd.s32 v3, v8;
	_ =	sdelay $0x1  }
0xe6: {  	v7 =	vperm.xlane v7, v4;
	_ =	sdelay $0x1  }
0xe7: {  	s8 =	simm.s32 $0x1B600;
	v7 =	vadd.s32 v3, v7  }
0xe8: {  	[tilespmem:s8], [sflag:$0x2] =	stream.indirect_vreg.gather [hbm4b:s3+s31], $0x80, v8, vm0, $0xb8;
	[tilespmem:$0x1F800] =	vst v63  }
0xe9: {  	s9 =	simm.s32 $0x1BE00  }
0xea: {  	[tilespmem:s9], [sflag:$0x2] =	stream.indirect_vreg.gather [hbm4b:s13+s31], $0x80, v8, vm0, $0xb8;
	[tilespmem:$0x1F800] =	vst v63  }
0xeb: {  	s10 =	simm.s32 $0x1C600  }
0xec: {  	[tilespmem:s10], [sflag:$0x2] =	stream.indirect_vreg.gather [hbm4b:s3+s31], $0x80, v7, vm0, $0xb8;
	[tilespmem:$0x1F800] =	vst v63  }
0xed: {  	s15 =	simm.s32 $0x1CE00  }
0xee: {  	[tilespmem:s15], [sflag:$0x2] =	stream.indirect_vreg.gather [hbm4b:s13+s31], $0x80, v7, vm0, $0xb8;
	[tilespmem:$0x1F800] =	vst v63  }
0xef: {  	v7 =	vld [tilespmem:s26+$0x410];
	_ =	sdelay $0x4  }
0xf0: {  	v8 =	vshll.u32 v7, $0x2  }
0xf1: {  	v7 =	vand.u32 $0x7, v7;
	v8 =	vand.u32 $0xFFFFFFE0, v8  }
0xf2: {  	v7 =	vor.u32 v7, v8  }
0xf3: {  	v8 =	vperm.xlane v7, v2;
	_ =	sdelay $0x1  }
0xf4: {  	v8 =	vadd.s32 v3, v8;
	_ =	sdelay $0x1  }
0xf5: {  	v7 =	vperm.xlane v7, v4;
	_ =	sdelay $0x1  }
0xf6: {  	s18 =	simm.s32 $0x1D600;
	v7 =	vadd.s32 v3, v7  }
0xf7: {  	[tilespmem:s18], [sflag:$0x2] =	stream.indirect_vreg.gather [hbm4b:s4+s31], $0x80, v8, vm0, $0xb8;
	[tilespmem:$0x1F800] =	vst v63  }
0xf8: {  	s19 =	simm.s32 $0x1DE00  }
0xf9: {  	[tilespmem:s19], [sflag:$0x2] =	stream.indirect_vreg.gather [hbm4b:s14+s31], $0x80, v8, vm0, $0xb8;
	[tilespmem:$0x1F800] =	vst v63  }
0xfa: {  	s25 =	simm.s32 $0x1E600;
	v8 =	vshrl.u32 v6, $0x7  }
0xfb: {  	v9 =	vadd.s32 $0x186A0, v6;
	[tilespmem:s25], [sflag:$0x2] =	stream.indirect_vreg.gather [hbm4b:s4+s31], $0x80, v7, vm0, $0xb8;
	[tilespmem:$0x1F800] =	vst v63  }
0xfc: {  	v9 =	vshrl.u32 v9, $0x7  }
0xfd: {  	v6 =	vadd.s32 $0x30D40, v6;
	[tilespmem:s16], [sflag:$0x2] =	stream.indirect_vreg.gather [hbm4b:s14+s31], $0x80, v7, vm0, $0xb8;
	[tilespmem:$0x1F800] =	vst v63  }
0xfe: {  	v6 =	vshrl.u32 v6, $0x7  }
0xff: {  	[tilespmem:s17], [sflag:$0x2] =	stream.indirect_vreg.gather [hbm4b:s7+s31], $0x80, v8, vm0, $0xb8;
	[tilespmem:$0x1F800] =	vst v63  }
0x100: {  	_ = 	snop  }
0x101: {  	[tilespmem:s20], [sflag:$0x2] =	stream.indirect_vreg.gather [hbm4b:s7+s31], $0x80, v9, vm0, $0xb8;
	[tilespmem:$0x1F800] =	vst v63  }
0x102: {  	_ = 	snop  }
0x103: {  	[tilespmem:s21], [sflag:$0x2] =	stream.indirect_vreg.gather [hbm4b:s7+s31], $0x80, v6, vm0, $0xb8;
	[tilespmem:$0x1F800] =	vst v63  }
0x104: {  	_ =	swait.ge [sflag:s22], $0x2000  }
0x105: {  	[sflag:s22] =	ssyncset.done $0x0  }
0x106: {  	[sflag:s22] =	ssyncadd.s32 $0xFFFFE000  }
0x107: {  	_ =	swait.ge [sflag:s22], $0x2000  }
0x108: {  	[sflag:s22] =	ssyncset.done $0x0  }
0x109: {  	[sflag:s22] =	ssyncadd.s32 $0xFFFFE000  }
0x10a: {  	_ =	swait.ge [sflag:s22], $0x2000  }
0x10b: {  	[sflag:s22] =	ssyncset.done $0x0  }
0x10c: {  	[sflag:s22] =	ssyncadd.s32 $0xFFFFE000  }
0x10d: {  	_ =	swait.ge [sflag:s22], $0x2000  }
0x10e: {  	[sflag:s22] =	ssyncset.done $0x0  }
0x10f: {  	[sflag:s22] =	ssyncadd.s32 $0xFFFFE000  }
0x110: {  	_ =	swait.ge [sflag:s22], $0x2000  }
0x111: {  	[sflag:s22] =	ssyncset.done $0x0  }
0x112: {  	[sflag:s22] =	ssyncadd.s32 $0xFFFFE000  }
0x113: {  	_ =	swait.ge [sflag:s22], $0x2000  }
0x114: {  	[sflag:s22] =	ssyncset.done $0x0  }
0x115: {  	[sflag:s22] =	ssyncadd.s32 $0xFFFFE000  }
0x116: {  	_ =	swait.ge [sflag:s22], $0x2000  }
0x117: {  	[sflag:s22] =	ssyncset.done $0x0  }
0x118: {  	[sflag:s22] =	ssyncadd.s32 $0xFFFFE000  }
0x119: {  	_ =	swait.ge [sflag:s22], $0x800  }
0x11a: {  	[sflag:s22] =	ssyncset.done $0x0  }
0x11b: {  	[sflag:s22] =	ssyncadd.s32 $0xFFFFF800  }
0x11c: {  	_ =	swait.ge [sflag:s22], $0x800  }
0x11d: {  	[sflag:s22] =	ssyncset.done $0x0  }
0x11e: {  	[sflag:s22] =	ssyncadd.s32 $0xFFFFF800  }
0x11f: {  	_ =	swait.ge [sflag:s22], $0x800  }
0x120: {  	[sflag:s22] =	ssyncset.done $0x0  }
0x121: {  	[sflag:s22] =	ssyncadd.s32 $0xFFFFF800  }
0x122: {  	v6 =	vld [tilespmem:s26+$0x0];
	_ =	sdelay $0x4  }
0x123: {  	v7 =	vand.u32 $0x7F, v6;
	v6 =	vadd.s32 $0x20, v6  }
0x124: {  	v8 =	vor.u32 v1, v7;
	v6 =	vand.u32 $0x7F, v6  }
0x125: {  	v6 =	vor.u32 v1, v6  }
0x126: {  	v7 =	vxor.u32 v5, v7;
	_ =	sdelay $0x2  }
0x127: {  	v8 =	vld.idx.msk [tilespmem:v8+s28+$0x0], $0xffff  }
0x128: {  	v6 =	vld.idx.msk [tilespmem:v6+s29+$0x0], $0xffff  }
0x129: {  	v7 =	vld.idx.msk [tilespmem:v7+s30+$0x0], $0xffff;
	_ =	sdelay $0x3  }
0x12a: {  	v9 =	vmax.f32 v8, v6  }
0x12b: {  	v9 =	vmax.f32 v9, v7  }
0x12c: {  	v8 =	vsub.f32 v8, v9  }
0x12d: {  	v6 =	vsub.f32 v6, v9  }
0x12e: {  	v8 =	vmul.f32 $1.442695020e+00, v8  }
0x12f: {  	v7 =	vsub.f32 v7, v9;
	v6 =	vmul.f32 $1.442695020e+00, v6  }
0x130: {  	(erf) = vpow2.f32 v8  }
0x131: {  	(erf) = vpow2.f32 v6;
	v6 =	vmul.f32 $1.442695020e+00, v7;
	_ =	sdelay $0x1  }
0x132: {  	(erf) = vpow2.f32 v6;
	_ =	sdelay $0x5  }
0x133: {  	v6 =	vpop (erf)  }
0x134: {  	v7 =	vpop (erf)  }
0x135: {  	v8 =	vadd.f32 v7, v6  }
0x136: {  	v9 =	vpop (erf)  }
0x137: {  	v8 =	vadd.f32 v8, v9;
	_ =	sdelay $0x1  }
0x138: {  	(erf) = vrcp.f32 v8;
	_ =	sdelay $0x8  }
0x139: {  	v10 =	vpop (erf)  }
0x13a: {  	v6 =	vmul.f32 v10, v6  }
0x13b: {  	s0 =	simm.s32 $0x0;
	s25 =	sor.u32 $0x10, s26;
	v8 =	vmul.f32 v10, v7;
	v9 =	vmul.f32 v10, v9;
	v7 =	vimm.f32 $0.0e+00  }
.LBB2_3:
0x13c: {  	s6 =	sshll.u32 s0, $0x9;
	s8 =	sshll.u32 s0, $0x7  }
0x13d: {  	s6 =	sand.u32 $0x1000, s6;
	s8 =	sand.u32 $0x380, s8  }
0x13e: {  	s15 =	sand.u32 $0x40, s31;
	s18 =	sor.u32 s6, s8  }
0x13f: {  	s19 =	sand.u32 $0xC00, s31;
	s6 =	sor.u32 s15, s18  }
0x140: {  	s6 =	sor.u32 s19, s6  }
0x141: {  	v12 =	vld [tilespmem:s6+$0x7E20]  }
0x142: {  	v13 =	vld [tilespmem:s6+$0xDE20]  }
0x143: {  	v14 =	vld [tilespmem:s6+$0x3E30]  }
0x144: {  	v15 =	vld [tilespmem:s6+$0x9E30]  }
0x145: {  	v16 =	vld [tilespmem:s6+$0x7E10]  }
0x146: {  	v17 =	vld [tilespmem:s6+$0xDE10]  }
0x147: {  	v20 =	vld [tilespmem:s6+$0x3E20]  }
0x148: {  	v21 =	vld [tilespmem:s6+$0x9E20]  }
0x149: {  	v24 =	vld [tilespmem:s6+$0x5E20]  }
0x14a: {  	v23 =	vld [tilespmem:s6+$0x7E00]  }
0x14b: {  	v25 =	vld [tilespmem:s6+$0xDE00]  }
0x14c: {  	v26 =	vld [tilespmem:s6+$0x3E10]  }
0x14d: {  	v27 =	vld [tilespmem:s6+$0x9E10]  }
0x14e: {  	v22 =	vld [tilespmem:s6+$0x3E00]  }
0x14f: {  	v28 =	vld [tilespmem:s6+$0x9E00]  }
0x150: {  	v29 =	vld [tilespmem:s6+$0x5E00]  }
0x151: {  	v30 =	vld [tilespmem:s6+$0xBE00]  }
0x152: {  	v31 =	vld [tilespmem:s6+$0x5E10]  }
0x153: {  	v32 =	vld [tilespmem:s6+$0xBE10]  }
0x154: {  	v33 =	vld [tilespmem:s6+$0xBE20];
	v34 =	vsub.f32 v12, v13  }
0x155: {  	v10 =	vmov s0;
	v15 =	vsub.f32 v14, v15;
	v19 =	vsub.f32 v16, v17  }
0x156: {  	v11 =	vperm.xlane v6, v10;
	v18 =	vld [tilespmem:s6+$0x5E30];
	v14 =	vsub.f32 v22, v28;
	v16 =	vsub.f32 v29, v30  }
0x157: {  	v13 =	vperm.xlane v8, v10;
	v22 =	vld [tilespmem:s6+$0xBE30];
	v23 =	vsub.f32 v23, v25;
	v20 =	vsub.f32 v20, v21  }
0x158: {  	v12 =	vperm.xlane v9, v10;
	v26 =	vsub.f32 v26, v27;
	v17 =	vld [tilespmem:s6+$0x7E30];
	v28 =	vsub.f32 v31, v32  }
0x159: {  	v21 =	vld [tilespmem:s6+$0xDE30];
	v24 =	vsub.f32 v24, v33;
	v27 =	vmul.f32 v14, v11;
	v29 =	vmul.f32 v16, v13  }
0x15a: {  	s9 =	simm.s32 $0x0;
	s8 =	simm.s32 $0x40;
	s19 =	simm.s32 $0x0;
	v25 =	vmul.f32 v23, v12;
	v23 =	vld [tilespmem:s6+$0x600];
	v16 =	vmul.f32 v34, v12;
	v14 =	vimm.f32 $0.0e+00  }
.LBB2_4:
0x15b: {  	s10 =	sand.u32 $0x40, s8;
	v27 =	vadd.f32 v29, v27;
	v26 =	vmul.f32 v26, v11;
	v28 =	vmul.f32 v28, v13;
	v29 =	vld [tilespmem:s6+$0x630];
	s9 =	sadd.s32 $0x200, s9  }
0x15c: {  	v19 =	vmul.f32 v19, v12;
	v20 =	vmul.f32 v20, v11;
	s15 =	sand.u32 $0xC00, s9;
	s10 =	sor.u32 s10, s18;
	v30 =	vld [tilespmem:s6+$0x610];
	v18 =	vsub.f32 v18, v22  }
0x15d: {  	v24 =	vmul.f32 v24, v13;
	v22 =	vadd.f32 v25, v27;
	v25 =	vadd.f32 v28, v26;
	v26 =	vld [tilespmem:s6+$0x620];
	s6 =	sor.u32 s15, s10  }
0x15e: {  	v15 =	vmul.f32 v15, v11;
	v27 =	vld [tilespmem:s6+$0x7E20];
	v18 =	vmul.f32 v18, v13;
	v17 =	vsub.f32 v17, v21  }
0x15f: {  	v20 =	vadd.f32 v24, v20;
	v21 =	vld [tilespmem:s6+$0xDE20];
	v22 =	vmul.f32 v22, v23;
	v19 =	vadd.f32 v19, v25  }
0x160: {  	v23 =	vld [tilespmem:s6+$0x3E30];
	v15 =	vadd.f32 v18, v15;
	v17 =	vmul.f32 v17, v12  }
0x161: {  	v16 =	vadd.f32 v16, v20;
	v18 =	vld [tilespmem:s6+$0x9E30];
	v14 =	vadd.f32 v22, v14;
	v19 =	vmul.f32 v19, v30  }
0x162: {  	v20 =	vld [tilespmem:s6+$0x7E10]  }
0x163: {  	v16 =	vmul.f32 v16, v26;
	v15 =	vadd.f32 v17, v15;
	v22 =	vld [tilespmem:s6+$0xDE10];
	v14 =	vadd.f32 v19, v14  }
0x164: {  	v17 =	vld [tilespmem:s6+$0x3E20]  }
0x165: {  	v15 =	vmul.f32 v15, v29;
	v24 =	vld [tilespmem:s6+$0x9E20];
	v14 =	vadd.f32 v16, v14  }
0x166: {  	v16 =	vld [tilespmem:s6+$0x5E20]  }
0x167: {  	v25 =	vld [tilespmem:s6+$0x7E00];
	v14 =	vadd.f32 v15, v14  }
0x168: {  	v26 =	vld [tilespmem:s6+$0xDE00]  }
0x169: {  	v28 =	vld [tilespmem:s6+$0x3E10]  }
0x16a: {  	v29 =	vld [tilespmem:s6+$0x9E10]  }
0x16b: {  	s19 =	sadd.s32 $0x4, s19;
	v30 =	vld [tilespmem:s6+$0x3E00]  }
0x16c: {  	p0 =	slt.u32 s19, $0x1C;
	v31 =	vld [tilespmem:s6+$0x9E00]  }
0x16d: {  	v32 =	vld [tilespmem:s6+$0x5E00]  }
0x16e: {  	v33 =	vld [tilespmem:s6+$0xBE00]  }
0x16f: {  	v34 =	vld [tilespmem:s6+$0x5E10]  }
0x170: {  	v35 =	vld [tilespmem:s6+$0xBE10]  }
0x171: {  	v37 =	vsub.f32 v27, v21;
	v15 =	vsub.f32 v23, v18;
	v36 =	vld [tilespmem:s6+$0xBE20]  }
.Ltmp0:
0x172: {  	v19 =	vsub.f32 v20, v22;
	v20 =	vsub.f32 v17, v24;
	v18 =	vld [tilespmem:s6+$0x5E30];
	(pc) =	sbr.rel @p0 .LBB2_4-.Ltmp0, $4  }
0x173: {  	v21 =	vsub.f32 v30, v31;
	v23 =	vsub.f32 v32, v33;
	v22 =	vld [tilespmem:s6+$0xBE30]  }
0x174: {  	v24 =	vsub.f32 v25, v26;
	v26 =	vsub.f32 v28, v29;
	v17 =	vld [tilespmem:s6+$0x7E30]  }
0x175: {  	v27 =	vmul.f32 v21, v11;
	v29 =	vmul.f32 v23, v13;
	v28 =	vsub.f32 v34, v35;
	v21 =	vld [tilespmem:s6+$0xDE30]  }
0x176: {  	s8 =	sadd.s32 $0x40, s8;
	v25 =	vmul.f32 v24, v12;
	v23 =	vld [tilespmem:s6+$0x600];
	v24 =	vsub.f32 v16, v36;
	v16 =	vmul.f32 v37, v12  }
0x177: {  	v27 =	vadd.f32 v29, v27;
	v26 =	vmul.f32 v26, v11;
	v28 =	vmul.f32 v28, v13  }
0x178: {  	v48 =	vld [tilespmem:s6+$0x610];
	v19 =	vmul.f32 v19, v12;
	v20 =	vmul.f32 v20, v11;
	v18 =	vsub.f32 v18, v22  }
0x179: {  	v24 =	vmul.f32 v24, v13;
	v49 =	vadd.f32 v25, v27;
	v50 =	vadd.f32 v28, v26  }
0x17a: {  	v51 =	vld [tilespmem:s6+$0x620];
	v11 =	vmul.f32 v15, v11;
	v52 =	vmul.f32 v18, v13;
	v53 =	vsub.f32 v17, v21  }
0x17b: {  	v56 =	vadd.f32 v24, v20;
	v54 =	vmul.f32 v49, v23;
	v55 =	vadd.f32 v19, v50  }
0x17c: {  	v57 =	vld [tilespmem:s6+$0x630];
	v11 =	vadd.f32 v52, v11;
	v58 =	vmul.f32 v53, v12  }
0x17d: {  	v61 =	vadd.f32 v16, v56;
	v59 =	vadd.f32 v54, v14;
	v60 =	vmul.f32 v55, v48;
	_ =	sdelay $0x1  }
0x17e: {  	v62 =	vmul.f32 v61, v51;
	v11 =	vadd.f32 v58, v11;
	v13 =	vadd.f32 v60, v59;
	_ =	sdelay $0x1  }
0x17f: {  	v11 =	vmul.f32 v11, v57;
	v63 =	vadd.f32 v62, v13;
	_ =	sdelay $0x1  }
0x180: {  	v11 =	vadd.f32 v11, v63;
	_ =	sdelay $0x1  }
0x181: {  	(xrf2) =	vadd.scan.msk.f32 $0xffff, v11;
	_ =	sdelay $0x6  }
0x182: {  	s0 =	sadd.s32 $0x1, s0  }
0x183: {  	p0 =	sne.s32 s0, $0x10  }
.Ltmp1:
0x184: {  	_ = 	snop;
	(pc) =	sbr.rel @p0 .LBB2_3-.Ltmp1, $4  }
0x185: {  	v11, _, _ =	vpop (xrf2)  }
0x186: {  	v11 =	vbroadcast v11, $0xF  }
0x187: {  	vm1 =	veq.s32 v10, v0  }
0x188: {  	v7 =	vsel vm1, v11, v7  }
0x189: {  	p0 =	seq.s32 s24, $0xF  }
.Ltmp2:
0x18a: {  	_ = 	snop;
	(pc) =	sbr.rel @p0 .LBB2_8-.Ltmp2, $2  }
0x18b: {  	_ =	sdelay $0x2  }
0x18c: {  	[tilespmem:s26+$0x1F600] =	vst v7  }
0x18d: {  	v6 =	vld [tilespmem:s26+$0x20];
	_ =	sdelay $0x4  }
0x18e: {  	v7 =	vshll.u32 v6, $0x2  }
0x18f: {  	v8 =	vand.u32 $0x7, v6;
	v7 =	vand.u32 $0xFFFFFFE0, v7  }
0x190: {  	v7 =	vor.u32 v8, v7  }
0x191: {  	v8 =	vperm.xlane v7, v2;
	_ =	sdelay $0x1  }
0x192: {  	v8 =	vadd.s32 v3, v8;
	_ =	sdelay $0x1  }
0x193: {  	v7 =	vperm.xlane v7, v4;
	_ =	sdelay $0x1  }
0x194: {  	s0 =	simm.s32 $0x600;
	v7 =	vadd.s32 v3, v7  }
0x195: {  	[tilespmem:s0], [sflag:$0x1] =	stream.indirect_vreg.gather [hbm4b:s1+s5], $0x80, v8, vm0, $0xb8;
	[tilespmem:$0x1F800] =	vst v63  }
0x196: {  	s9 =	simm.s32 $0xE00  }
0x197: {  	[tilespmem:s9], [sflag:$0x1] =	stream.indirect_vreg.gather [hbm4b:s11+s5], $0x80, v8, vm0, $0xb8;
	[tilespmem:$0x1F800] =	vst v63  }
0x198: {  	s10 =	simm.s32 $0x1600  }
0x199: {  	[tilespmem:s10], [sflag:$0x1] =	stream.indirect_vreg.gather [hbm4b:s1+s5], $0x80, v7, vm0, $0xb8;
	[tilespmem:$0x1F800] =	vst v63  }
0x19a: {  	s15 =	simm.s32 $0x1E00  }
0x19b: {  	[tilespmem:s15], [sflag:$0x1] =	stream.indirect_vreg.gather [hbm4b:s11+s5], $0x80, v7, vm0, $0xb8;
	[tilespmem:$0x1F800] =	vst v63  }
0x19c: {  	v7 =	vld [tilespmem:s26+$0x220];
	_ =	sdelay $0x4  }
0x19d: {  	v57 =	vshll.u32 v7, $0x2  }
0x19e: {  	v7 =	vand.u32 $0x7, v7;
	v8 =	vand.u32 $0xFFFFFFE0, v57  }
0x19f: {  	v7 =	vor.u32 v7, v8  }
0x1a0: {  	v8 =	vperm.xlane v7, v2;
	_ =	sdelay $0x1  }
0x1a1: {  	v8 =	vadd.s32 v3, v8;
	_ =	sdelay $0x1  }
0x1a2: {  	v7 =	vperm.xlane v7, v4;
	_ =	sdelay $0x1  }
0x1a3: {  	s18 =	simm.s32 $0x3E00;
	v7 =	vadd.s32 v3, v7  }
0x1a4: {  	[tilespmem:s18], [sflag:$0x1] =	stream.indirect_vreg.gather [hbm4b:s2+s5], $0x80, v8, vm0, $0xb8;
	[tilespmem:$0x1F800] =	vst v63  }
0x1a5: {  	s19 =	simm.s32 $0x4600  }
0x1a6: {  	[tilespmem:s19], [sflag:$0x1] =	stream.indirect_vreg.gather [hbm4b:s12+s5], $0x80, v8, vm0, $0xb8;
	[tilespmem:$0x1F800] =	vst v63  }
0x1a7: {  	s6 =	simm.s32 $0x4E00  }
0x1a8: {  	[tilespmem:s6], [sflag:$0x1] =	stream.indirect_vreg.gather [hbm4b:s2+s5], $0x80, v7, vm0, $0xb8;
	[tilespmem:$0x1F800] =	vst v63  }
0x1a9: {  	s8 =	simm.s32 $0x5600  }
0x1aa: {  	[tilespmem:s8], [sflag:$0x1] =	stream.indirect_vreg.gather [hbm4b:s12+s5], $0x80, v7, vm0, $0xb8;
	[tilespmem:$0x1F800] =	vst v63  }
0x1ab: {  	v7 =	vld [tilespmem:s26+$0x220];
	_ =	sdelay $0x4  }
0x1ac: {  	v58 =	vshll.u32 v7, $0x2  }
0x1ad: {  	v7 =	vand.u32 $0x7, v7;
	v8 =	vand.u32 $0xFFFFFFE0, v58  }
0x1ae: {  	v7 =	vor.u32 v7, v8  }
0x1af: {  	v8 =	vperm.xlane v7, v2;
	_ =	sdelay $0x1  }
0x1b0: {  	v8 =	vadd.s32 v3, v8;
	_ =	sdelay $0x1  }
0x1b1: {  	v7 =	vperm.xlane v7, v4;
	_ =	sdelay $0x1  }
0x1b2: {  	s9 =	simm.s32 $0x5E00;
	v7 =	vadd.s32 v3, v7  }
0x1b3: {  	[tilespmem:s9], [sflag:$0x1] =	stream.indirect_vreg.gather [hbm4b:s3+s5], $0x80, v8, vm0, $0xb8;
	[tilespmem:$0x1F800] =	vst v63  }
0x1b4: {  	s10 =	simm.s32 $0x6600  }
0x1b5: {  	[tilespmem:s10], [sflag:$0x1] =	stream.indirect_vreg.gather [hbm4b:s13+s5], $0x80, v8, vm0, $0xb8;
	[tilespmem:$0x1F800] =	vst v63  }
0x1b6: {  	s15 =	simm.s32 $0x6E00  }
0x1b7: {  	[tilespmem:s15], [sflag:$0x1] =	stream.indirect_vreg.gather [hbm4b:s3+s5], $0x80, v7, vm0, $0xb8;
	[tilespmem:$0x1F800] =	vst v63  }
0x1b8: {  	s18 =	simm.s32 $0x7600  }
0x1b9: {  	[tilespmem:s18], [sflag:$0x1] =	stream.indirect_vreg.gather [hbm4b:s13+s5], $0x80, v7, vm0, $0xb8;
	[tilespmem:$0x1F800] =	vst v63  }
0x1ba: {  	v7 =	vld [tilespmem:s26+$0x220];
	_ =	sdelay $0x4  }
0x1bb: {  	v59 =	vshll.u32 v7, $0x2  }
0x1bc: {  	v7 =	vand.u32 $0x7, v7;
	v8 =	vand.u32 $0xFFFFFFE0, v59  }
0x1bd: {  	v7 =	vor.u32 v7, v8  }
0x1be: {  	v8 =	vperm.xlane v7, v2;
	_ =	sdelay $0x1  }
0x1bf: {  	v8 =	vadd.s32 v3, v8;
	_ =	sdelay $0x1  }
0x1c0: {  	v7 =	vperm.xlane v7, v4;
	_ =	sdelay $0x1  }
0x1c1: {  	s19 =	simm.s32 $0x7E00;
	v7 =	vadd.s32 v3, v7  }
0x1c2: {  	[tilespmem:s19], [sflag:$0x1] =	stream.indirect_vreg.gather [hbm4b:s4+s5], $0x80, v8, vm0, $0xb8;
	[tilespmem:$0x1F800] =	vst v63  }
0x1c3: {  	s6 =	simm.s32 $0x8600  }
0x1c4: {  	[tilespmem:s6], [sflag:$0x1] =	stream.indirect_vreg.gather [hbm4b:s14+s5], $0x80, v8, vm0, $0xb8;
	[tilespmem:$0x1F800] =	vst v63  }
0x1c5: {  	s8 =	simm.s32 $0x8E00  }
0x1c6: {  	[tilespmem:s8], [sflag:$0x1] =	stream.indirect_vreg.gather [hbm4b:s4+s5], $0x80, v7, vm0, $0xb8;
	[tilespmem:$0x1F800] =	vst v63  }
0x1c7: {  	s9 =	simm.s32 $0x9600  }
0x1c8: {  	[tilespmem:s9], [sflag:$0x1] =	stream.indirect_vreg.gather [hbm4b:s14+s5], $0x80, v7, vm0, $0xb8;
	[tilespmem:$0x1F800] =	vst v63  }
0x1c9: {  	v7 =	vld [tilespmem:s26+$0x420];
	_ =	sdelay $0x4  }
0x1ca: {  	v60 =	vshll.u32 v7, $0x2  }
0x1cb: {  	v7 =	vand.u32 $0x7, v7;
	v8 =	vand.u32 $0xFFFFFFE0, v60  }
0x1cc: {  	v7 =	vor.u32 v7, v8  }
0x1cd: {  	v8 =	vperm.xlane v7, v2;
	_ =	sdelay $0x1  }
0x1ce: {  	v8 =	vadd.s32 v3, v8;
	_ =	sdelay $0x1  }
0x1cf: {  	v7 =	vperm.xlane v7, v4;
	_ =	sdelay $0x1  }
0x1d0: {  	s10 =	simm.s32 $0x9E00;
	v7 =	vadd.s32 v3, v7  }
0x1d1: {  	[tilespmem:s10], [sflag:$0x1] =	stream.indirect_vreg.gather [hbm4b:s2+s5], $0x80, v8, vm0, $0xb8;
	[tilespmem:$0x1F800] =	vst v63  }
0x1d2: {  	s15 =	simm.s32 $0xA600  }
0x1d3: {  	[tilespmem:s15], [sflag:$0x1] =	stream.indirect_vreg.gather [hbm4b:s12+s5], $0x80, v8, vm0, $0xb8;
	[tilespmem:$0x1F800] =	vst v63  }
0x1d4: {  	s18 =	simm.s32 $0xAE00  }
0x1d5: {  	[tilespmem:s18], [sflag:$0x1] =	stream.indirect_vreg.gather [hbm4b:s2+s5], $0x80, v7, vm0, $0xb8;
	[tilespmem:$0x1F800] =	vst v63  }
0x1d6: {  	s19 =	simm.s32 $0xB600  }
0x1d7: {  	[tilespmem:s19], [sflag:$0x1] =	stream.indirect_vreg.gather [hbm4b:s12+s5], $0x80, v7, vm0, $0xb8;
	[tilespmem:$0x1F800] =	vst v63  }
0x1d8: {  	v7 =	vld [tilespmem:s26+$0x420];
	_ =	sdelay $0x4  }
0x1d9: {  	v61 =	vshll.u32 v7, $0x2  }
0x1da: {  	v7 =	vand.u32 $0x7, v7;
	v8 =	vand.u32 $0xFFFFFFE0, v61  }
0x1db: {  	v7 =	vor.u32 v7, v8  }
0x1dc: {  	v8 =	vperm.xlane v7, v2;
	_ =	sdelay $0x1  }
0x1dd: {  	v8 =	vadd.s32 v3, v8;
	_ =	sdelay $0x1  }
0x1de: {  	v7 =	vperm.xlane v7, v4;
	_ =	sdelay $0x1  }
0x1df: {  	s6 =	simm.s32 $0xBE00;
	v7 =	vadd.s32 v3, v7  }
0x1e0: {  	[tilespmem:s6], [sflag:$0x1] =	stream.indirect_vreg.gather [hbm4b:s3+s5], $0x80, v8, vm0, $0xb8;
	[tilespmem:$0x1F800] =	vst v63  }
0x1e1: {  	s8 =	simm.s32 $0xC600  }
0x1e2: {  	[tilespmem:s8], [sflag:$0x1] =	stream.indirect_vreg.gather [hbm4b:s13+s5], $0x80, v8, vm0, $0xb8;
	[tilespmem:$0x1F800] =	vst v63  }
0x1e3: {  	s9 =	simm.s32 $0xCE00  }
0x1e4: {  	[tilespmem:s9], [sflag:$0x1] =	stream.indirect_vreg.gather [hbm4b:s3+s5], $0x80, v7, vm0, $0xb8;
	[tilespmem:$0x1F800] =	vst v63  }
0x1e5: {  	s10 =	simm.s32 $0xD600  }
0x1e6: {  	[tilespmem:s10], [sflag:$0x1] =	stream.indirect_vreg.gather [hbm4b:s13+s5], $0x80, v7, vm0, $0xb8;
	[tilespmem:$0x1F800] =	vst v63  }
0x1e7: {  	v7 =	vld [tilespmem:s26+$0x420];
	_ =	sdelay $0x4  }
0x1e8: {  	v62 =	vshll.u32 v7, $0x2  }
0x1e9: {  	v7 =	vand.u32 $0x7, v7;
	v8 =	vand.u32 $0xFFFFFFE0, v62  }
0x1ea: {  	v7 =	vor.u32 v7, v8  }
0x1eb: {  	v8 =	vperm.xlane v7, v2;
	_ =	sdelay $0x1  }
0x1ec: {  	v8 =	vadd.s32 v3, v8;
	_ =	sdelay $0x1  }
0x1ed: {  	v7 =	vperm.xlane v7, v4;
	_ =	sdelay $0x1  }
0x1ee: {  	s15 =	simm.s32 $0xDE00;
	v7 =	vadd.s32 v3, v7  }
0x1ef: {  	[tilespmem:s15], [sflag:$0x1] =	stream.indirect_vreg.gather [hbm4b:s4+s5], $0x80, v8, vm0, $0xb8;
	[tilespmem:$0x1F800] =	vst v63  }
0x1f0: {  	s18 =	simm.s32 $0xE600  }
0x1f1: {  	[tilespmem:s18], [sflag:$0x1] =	stream.indirect_vreg.gather [hbm4b:s14+s5], $0x80, v8, vm0, $0xb8;
	[tilespmem:$0x1F800] =	vst v63  }
0x1f2: {  	v63 =	vshrl.u32 v6, $0x7;
	s19 =	simm.s32 $0xEE00  }
0x1f3: {  	v9 =	vadd.s32 $0x186A0, v6;
	[tilespmem:s19], [sflag:$0x1] =	stream.indirect_vreg.gather [hbm4b:s4+s5], $0x80, v7, vm0, $0xb8;
	[tilespmem:$0x1F800] =	vst v63  }
0x1f4: {  	v9 =	vshrl.u32 v9, $0x7;
	s26 =	simm.s32 $0xF600  }
0x1f5: {  	v6 =	vadd.s32 $0x30D40, v6;
	[tilespmem:s26], [sflag:$0x1] =	stream.indirect_vreg.gather [hbm4b:s14+s5], $0x80, v7, vm0, $0xb8;
	[tilespmem:$0x1F800] =	vst v63  }
0x1f6: {  	v6 =	vshrl.u32 v6, $0x7  }
0x1f7: {  	[tilespmem:s28], [sflag:$0x1] =	stream.indirect_vreg.gather [hbm4b:s7+s5], $0x80, v63, vm0, $0xb8;
	[tilespmem:$0x1F800] =	vst v63  }
0x1f8: {  	_ = 	snop  }
0x1f9: {  	[tilespmem:s29], [sflag:$0x1] =	stream.indirect_vreg.gather [hbm4b:s7+s5], $0x80, v9, vm0, $0xb8;
	[tilespmem:$0x1F800] =	vst v63  }
0x1fa: {  	_ = 	snop  }
0x1fb: {  	[tilespmem:s30], [sflag:$0x1] =	stream.indirect_vreg.gather [hbm4b:s7+s5], $0x80, v6, vm0, $0xb8;
	[tilespmem:$0x1F800] =	vst v63  }
.LBB2_8:
0x1fc: {  	_ =	swait.ge [sflag:s23], $0x2000  }
0x1fd: {  	[sflag:s23] =	ssyncset.done $0x0  }
0x1fe: {  	[sflag:s23] =	ssyncadd.s32 $0xFFFFE000  }
0x1ff: {  	_ =	swait.ge [sflag:s23], $0x2000  }
0x200: {  	[sflag:s23] =	ssyncset.done $0x0  }
0x201: {  	[sflag:s23] =	ssyncadd.s32 $0xFFFFE000  }
0x202: {  	_ =	swait.ge [sflag:s23], $0x2000  }
0x203: {  	[sflag:s23] =	ssyncset.done $0x0  }
0x204: {  	[sflag:s23] =	ssyncadd.s32 $0xFFFFE000  }
0x205: {  	_ =	swait.ge [sflag:s23], $0x2000  }
0x206: {  	[sflag:s23] =	ssyncset.done $0x0  }
0x207: {  	[sflag:s23] =	ssyncadd.s32 $0xFFFFE000  }
0x208: {  	_ =	swait.ge [sflag:s23], $0x2000  }
0x209: {  	[sflag:s23] =	ssyncset.done $0x0  }
0x20a: {  	[sflag:s23] =	ssyncadd.s32 $0xFFFFE000  }
0x20b: {  	_ =	swait.ge [sflag:s23], $0x2000  }
0x20c: {  	[sflag:s23] =	ssyncset.done $0x0  }
0x20d: {  	[sflag:s23] =	ssyncadd.s32 $0xFFFFE000  }
0x20e: {  	_ =	swait.ge [sflag:s23], $0x2000  }
0x20f: {  	[sflag:s23] =	ssyncset.done $0x0  }
0x210: {  	[sflag:s23] =	ssyncadd.s32 $0xFFFFE000  }
0x211: {  	_ =	swait.ge [sflag:s23], $0x800  }
0x212: {  	[sflag:s23] =	ssyncset.done $0x0  }
0x213: {  	[sflag:s23] =	ssyncadd.s32 $0xFFFFF800  }
0x214: {  	_ =	swait.ge [sflag:s23], $0x800  }
0x215: {  	[sflag:s23] =	ssyncset.done $0x0  }
0x216: {  	[sflag:s23] =	ssyncadd.s32 $0xFFFFF800  }
0x217: {  	_ =	swait.ge [sflag:s23], $0x800  }
0x218: {  	[sflag:s23] =	ssyncset.done $0x0  }
0x219: {  	[sflag:s23] =	ssyncadd.s32 $0xFFFFF800  }
0x21a: {  	v6 =	vld [tilespmem:s25+$0x0];
	_ =	sdelay $0x4  }
0x21b: {  	v7 =	vand.u32 $0x7F, v6;
	v6 =	vadd.s32 $0x20, v6  }
0x21c: {  	v8 =	vor.u32 v1, v7;
	v6 =	vand.u32 $0x7F, v6  }
0x21d: {  	v6 =	vor.u32 v1, v6  }
0x21e: {  	v7 =	vxor.u32 v5, v7;
	_ =	sdelay $0x2  }
0x21f: {  	v8 =	vld.idx.msk [tilespmem:v8+s17+$0x0], $0xffff  }
0x220: {  	v6 =	vld.idx.msk [tilespmem:v6+s20+$0x0], $0xffff  }
0x221: {  	v7 =	vld.idx.msk [tilespmem:v7+s21+$0x0], $0xffff;
	_ =	sdelay $0x3  }
0x222: {  	v9 =	vmax.f32 v8, v6  }
0x223: {  	v9 =	vmax.f32 v9, v7  }
0x224: {  	v8 =	vsub.f32 v8, v9  }
0x225: {  	v6 =	vsub.f32 v6, v9  }
0x226: {  	v8 =	vmul.f32 $1.442695020e+00, v8  }
0x227: {  	v7 =	vsub.f32 v7, v9;
	v6 =	vmul.f32 $1.442695020e+00, v6  }
0x228: {  	(erf) = vpow2.f32 v8  }
0x229: {  	(erf) = vpow2.f32 v6;
	v6 =	vmul.f32 $1.442695020e+00, v7;
	_ =	sdelay $0x1  }
0x22a: {  	(erf) = vpow2.f32 v6;
	_ =	sdelay $0x5  }
0x22b: {  	v6 =	vpop (erf)  }
0x22c: {  	v7 =	vpop (erf)  }
0x22d: {  	v8 =	vadd.f32 v7, v6  }
0x22e: {  	v9 =	vpop (erf)  }
0x22f: {  	v8 =	vadd.f32 v8, v9;
	_ =	sdelay $0x1  }
0x230: {  	(erf) = vrcp.f32 v8;
	_ =	sdelay $0x8  }
0x231: {  	v10 =	vpop (erf)  }
0x232: {  	v6 =	vmul.f32 v10, v6  }
0x233: {  	s26 =	simm.s32 $0x0;
	s0 =	simm.s32 $0x0;
	v8 =	vmul.f32 v10, v7;
	v9 =	vmul.f32 v10, v9;
	v7 =	vimm.f32 $0.0e+00  }
.LBB2_9:
0x234: {  	s6 =	sshll.u32 s0, $0x9;
	s8 =	sshll.u32 s0, $0x7  }
0x235: {  	s6 =	sand.u32 $0x1000, s6;
	s8 =	sand.u32 $0x380, s8  }
0x236: {  	s15 =	sand.u32 $0x40, s26;
	s18 =	sor.u32 s6, s8  }
0x237: {  	s19 =	sand.u32 $0xC00, s26;
	s6 =	sor.u32 s15, s18  }
0x238: {  	s6 =	sor.u32 s19, s6  }
0x239: {  	v12 =	vld [tilespmem:s6+$0x17620]  }
0x23a: {  	v13 =	vld [tilespmem:s6+$0x1D620]  }
0x23b: {  	v14 =	vld [tilespmem:s6+$0x13630]  }
0x23c: {  	v15 =	vld [tilespmem:s6+$0x19630]  }
0x23d: {  	v16 =	vld [tilespmem:s6+$0x17610]  }
0x23e: {  	v17 =	vld [tilespmem:s6+$0x1D610]  }
0x23f: {  	v20 =	vld [tilespmem:s6+$0x13620]  }
0x240: {  	v21 =	vld [tilespmem:s6+$0x19620]  }
0x241: {  	v24 =	vld [tilespmem:s6+$0x15620]  }
0x242: {  	v23 =	vld [tilespmem:s6+$0x17600]  }
0x243: {  	v25 =	vld [tilespmem:s6+$0x1D600]  }
0x244: {  	v26 =	vld [tilespmem:s6+$0x13610]  }
0x245: {  	v27 =	vld [tilespmem:s6+$0x19610]  }
0x246: {  	v22 =	vld [tilespmem:s6+$0x13600]  }
0x247: {  	v28 =	vld [tilespmem:s6+$0x19600]  }
0x248: {  	v29 =	vld [tilespmem:s6+$0x15600]  }
0x249: {  	v30 =	vld [tilespmem:s6+$0x1B600]  }
0x24a: {  	v31 =	vld [tilespmem:s6+$0x15610]  }
0x24b: {  	v32 =	vld [tilespmem:s6+$0x1B610]  }
0x24c: {  	v33 =	vld [tilespmem:s6+$0x1B620];
	v34 =	vsub.f32 v12, v13  }
0x24d: {  	v10 =	vmov s0;
	v15 =	vsub.f32 v14, v15;
	v19 =	vsub.f32 v16, v17  }
0x24e: {  	v11 =	vperm.xlane v6, v10;
	v18 =	vld [tilespmem:s6+$0x15630];
	v14 =	vsub.f32 v22, v28;
	v16 =	vsub.f32 v29, v30  }
0x24f: {  	v13 =	vperm.xlane v8, v10;
	v22 =	vld [tilespmem:s6+$0x1B630];
	v23 =	vsub.f32 v23, v25;
	v20 =	vsub.f32 v20, v21  }
0x250: {  	v12 =	vperm.xlane v9, v10;
	v26 =	vsub.f32 v26, v27;
	v17 =	vld [tilespmem:s6+$0x17630];
	v28 =	vsub.f32 v31, v32  }
0x251: {  	v21 =	vld [tilespmem:s6+$0x1D630];
	v24 =	vsub.f32 v24, v33;
	v27 =	vmul.f32 v14, v11;
	v29 =	vmul.f32 v16, v13  }
0x252: {  	s9 =	simm.s32 $0x0;
	s8 =	simm.s32 $0x40;
	s19 =	simm.s32 $0x0;
	v25 =	vmul.f32 v23, v12;
	v23 =	vld [tilespmem:s6+$0xFE00];
	v16 =	vmul.f32 v34, v12;
	v14 =	vimm.f32 $0.0e+00  }
.LBB2_10:
0x253: {  	s10 =	sand.u32 $0x40, s8;
	v27 =	vadd.f32 v29, v27;
	v26 =	vmul.f32 v26, v11;
	v28 =	vmul.f32 v28, v13;
	v29 =	vld [tilespmem:s6+$0xFE30];
	s9 =	sadd.s32 $0x200, s9  }
0x254: {  	v19 =	vmul.f32 v19, v12;
	v20 =	vmul.f32 v20, v11;
	s15 =	sand.u32 $0xC00, s9;
	s10 =	sor.u32 s10, s18;
	v30 =	vld [tilespmem:s6+$0xFE10];
	v18 =	vsub.f32 v18, v22  }
0x255: {  	v24 =	vmul.f32 v24, v13;
	v22 =	vadd.f32 v25, v27;
	v25 =	vadd.f32 v28, v26;
	v26 =	vld [tilespmem:s6+$0xFE20];
	s6 =	sor.u32 s15, s10  }
0x256: {  	v15 =	vmul.f32 v15, v11;
	v27 =	vld [tilespmem:s6+$0x17620];
	v18 =	vmul.f32 v18, v13;
	v17 =	vsub.f32 v17, v21  }
0x257: {  	v20 =	vadd.f32 v24, v20;
	v21 =	vld [tilespmem:s6+$0x1D620];
	v22 =	vmul.f32 v22, v23;
	v19 =	vadd.f32 v19, v25  }
0x258: {  	v23 =	vld [tilespmem:s6+$0x13630];
	v15 =	vadd.f32 v18, v15;
	v17 =	vmul.f32 v17, v12  }
0x259: {  	v16 =	vadd.f32 v16, v20;
	v18 =	vld [tilespmem:s6+$0x19630];
	v14 =	vadd.f32 v22, v14;
	v19 =	vmul.f32 v19, v30  }
0x25a: {  	v20 =	vld [tilespmem:s6+$0x17610]  }
0x25b: {  	v16 =	vmul.f32 v16, v26;
	v15 =	vadd.f32 v17, v15;
	v22 =	vld [tilespmem:s6+$0x1D610];
	v14 =	vadd.f32 v19, v14  }
0x25c: {  	v17 =	vld [tilespmem:s6+$0x13620]  }
0x25d: {  	v15 =	vmul.f32 v15, v29;
	v24 =	vld [tilespmem:s6+$0x19620];
	v14 =	vadd.f32 v16, v14  }
0x25e: {  	v16 =	vld [tilespmem:s6+$0x15620]  }
0x25f: {  	v25 =	vld [tilespmem:s6+$0x17600];
	v14 =	vadd.f32 v15, v14  }
0x260: {  	v26 =	vld [tilespmem:s6+$0x1D600]  }
0x261: {  	v28 =	vld [tilespmem:s6+$0x13610]  }
0x262: {  	v29 =	vld [tilespmem:s6+$0x19610]  }
0x263: {  	s19 =	sadd.s32 $0x4, s19;
	v30 =	vld [tilespmem:s6+$0x13600]  }
0x264: {  	p0 =	slt.u32 s19, $0x1C;
	v31 =	vld [tilespmem:s6+$0x19600]  }
0x265: {  	v32 =	vld [tilespmem:s6+$0x15600]  }
0x266: {  	v33 =	vld [tilespmem:s6+$0x1B600]  }
0x267: {  	v34 =	vld [tilespmem:s6+$0x15610]  }
0x268: {  	v35 =	vld [tilespmem:s6+$0x1B610]  }
0x269: {  	v37 =	vsub.f32 v27, v21;
	v15 =	vsub.f32 v23, v18;
	v36 =	vld [tilespmem:s6+$0x1B620]  }
.Ltmp3:
0x26a: {  	v19 =	vsub.f32 v20, v22;
	v20 =	vsub.f32 v17, v24;
	v18 =	vld [tilespmem:s6+$0x15630];
	(pc) =	sbr.rel @p0 .LBB2_10-.Ltmp3, $4  }
0x26b: {  	v21 =	vsub.f32 v30, v31;
	v23 =	vsub.f32 v32, v33;
	v22 =	vld [tilespmem:s6+$0x1B630]  }
0x26c: {  	v24 =	vsub.f32 v25, v26;
	v26 =	vsub.f32 v28, v29;
	v17 =	vld [tilespmem:s6+$0x17630]  }
0x26d: {  	v27 =	vmul.f32 v21, v11;
	v29 =	vmul.f32 v23, v13;
	v28 =	vsub.f32 v34, v35;
	v21 =	vld [tilespmem:s6+$0x1D630]  }
0x26e: {  	s8 =	sadd.s32 $0x40, s8;
	v25 =	vmul.f32 v24, v12;
	v23 =	vld [tilespmem:s6+$0xFE00];
	v24 =	vsub.f32 v16, v36;
	v16 =	vmul.f32 v37, v12  }
0x26f: {  	v27 =	vadd.f32 v29, v27;
	v26 =	vmul.f32 v26, v11;
	v28 =	vmul.f32 v28, v13  }
0x270: {  	v48 =	vld [tilespmem:s6+$0xFE10];
	v19 =	vmul.f32 v19, v12;
	v20 =	vmul.f32 v20, v11;
	v18 =	vsub.f32 v18, v22  }
0x271: {  	v24 =	vmul.f32 v24, v13;
	v49 =	vadd.f32 v25, v27;
	v50 =	vadd.f32 v28, v26  }
0x272: {  	v51 =	vld [tilespmem:s6+$0xFE20];
	v11 =	vmul.f32 v15, v11;
	v52 =	vmul.f32 v18, v13;
	v53 =	vsub.f32 v17, v21  }
0x273: {  	v56 =	vadd.f32 v24, v20;
	v54 =	vmul.f32 v49, v23;
	v55 =	vadd.f32 v19, v50  }
0x274: {  	v57 =	vld [tilespmem:s6+$0xFE30];
	v11 =	vadd.f32 v52, v11;
	v58 =	vmul.f32 v53, v12  }
0x275: {  	v61 =	vadd.f32 v16, v56;
	v59 =	vadd.f32 v54, v14;
	v60 =	vmul.f32 v55, v48;
	_ =	sdelay $0x1  }
0x276: {  	v62 =	vmul.f32 v61, v51;
	v11 =	vadd.f32 v58, v11;
	v13 =	vadd.f32 v60, v59;
	_ =	sdelay $0x1  }
0x277: {  	v11 =	vmul.f32 v11, v57;
	v63 =	vadd.f32 v62, v13;
	_ =	sdelay $0x1  }
0x278: {  	v11 =	vadd.f32 v11, v63;
	_ =	sdelay $0x1  }
0x279: {  	(xrf2) =	vadd.scan.msk.f32 $0xffff, v11;
	_ =	sdelay $0x6  }
0x27a: {  	s0 =	sadd.s32 $0x1, s0  }
0x27b: {  	p0 =	sne.s32 s0, $0x10  }
.Ltmp4:
0x27c: {  	_ = 	snop;
	(pc) =	sbr.rel @p0 .LBB2_9-.Ltmp4, $4  }
0x27d: {  	v11, _, _ =	vpop (xrf2)  }
0x27e: {  	v11 =	vbroadcast v11, $0xF  }
0x27f: {  	vm1 =	veq.s32 v10, v0  }
0x280: {  	v7 =	vsel vm1, v11, v7  }
0x281: {  	s24 =	sadd.s32 $0x1, s24  }
0x282: {  	p0 =	sne.s32 s24, $0x10  }
.Ltmp5:
0x283: {  	_ = 	snop;
	(pc) =	sbr.rel @p0 .LBB2_2-.Ltmp5, $2  }
0x284: {  	_ =	sdelay $0x2  }
0x285: {  	[tilespmem:s25+$0x1F600] =	vst v7  }
0x286: {  	s0 =	rddreg [dreg:$0xd];
	s6 =	simm.s32 $0x1F600  }
0x287: {  	[hbm4b:s0+s5] =	stream.linear.scatter [tilespmem:s6], [sflag:$0x3], $0x200, $0x38;
	[tilespmem:$0x1F800] =	vst v63  }
0x288: {  	s6 =	simm.s32 $0x3  }
0x289: {  	_ =	swait.ge [sflag:s6], $0x200  }
0x28a: {  	s8 =	rddreg [dreg:$0xf]  }
0x28b: {  	s26 =	rddreg [dreg:$0xe];
	s8 =	sadd.s32 $0x1, s8  }
0x28c: {  	p0 =	sne.s32 s8, s26  }
.Ltmp6:
0x28d: {  	_ = 	snop;
	(pc) =	sbr.rel @p0 .LBB2_1-.Ltmp6, $3  }
0x28e: {  	_ =	sdelay $0x1  }
0x28f: {  	[sflag:s6] =	ssyncset.done $0x0  }
0x290: {  	[sflag:s6] =	ssyncadd.s32 $0xFFFFFE00  }
0x291: {  	_ =	sfence.sel $0x180000  }
0x292: {  	[bflag:$0x0] =	sbarrier.arrive $0xFFFF  }
0x293: {  	_ =	strace $0x90000047  }
0x294: {  	s0 =	stileid.u32;
	[bflag:$0x2] =	sbarrier.arrive $0xFFFF  }
0x295: {  	p0 =	sne.s32 s0, $0x0;
	s0 =	rddreg [dreg:$0x9]  }
0x296: {  	s0 =	sadd.s32 @!p0 $0x100000, s0  }
0x297: {  	[sflag:s0] =	ssyncadd.tile.s32 @!p0 $0x1;
	_ =	shalt  }
.Lfunc_end2:
_tile_overlayer_lowered:
.L_overlay_start_2:
0x298: {  	(tag) =	ssettag $0x2  }
0x299: {  	s0 =	rddreg [dreg:$0x0];
	s2 =	stileid.u32  }
0x29a: {  	s1 =	rddreg [dreg:$0x1];
	p0 =	sne.s32 s2, $0x0  }
0x29b: {  	s3 =	rddreg [dreg:$0x2];
	[bflag:$0x3] =	sbarrier.arrive $0xFFFF;
	s2 =	simm.s32 @!p0 $0x1C03  }
0x29c: {  	[timem:s3], [sflag:s2] =	dma.local @!p0 [hbm:s0], s1  }
0x29d: {  	s0 =	simm.s32 @!p0 $0x3  }
0x29e: {  	_ =	swait.ge @!p0 [sflag:s0], s1  }
0x29f: {  	s1 =	ssub.s32 @!p0 $0x0, s1;
	[sflag:s0] =	ssyncset.done @!p0 $0x0  }
0x2a0: {  	[sflag:s0] =	ssyncadd.s32 @!p0 s1  }
0x2a1: {  	[bflag:$0x3] =	sbarrier.arrive $0xFFFF  }
0x2a2: {  	_ =	shalt  }

</sc_bundles>
